<compile_context>
chip_gen: v7x
topology: tpu7x:2x2x1
jax: 0.10.2.dev20260603
libtpu: 0.0.44.dev20260713+nightly
codegen_flags: <defaults>
</compile_context>

<pallas_src>
import functools

import jax
import jax.numpy as jnp
from jax import lax
from jax.experimental import pallas as pl
from jax.experimental.pallas import tpu as pltpu
from jax.experimental.pallas import tpu_sc as plsc

N_NODES = 10000
PAD_N = 10240
IN_DIM = 128
D = 64
NC = 2
NS = 16
NW = NC * NS
CHUNK = 128
N_EDGE = 320000
CHUNK_ROWS = N_EDGE // CHUNK
CBASE = CHUNK_ROWS // NW
NIDX = CBASE + 2
NPT = PAD_N // NS
BLK = 10240

_mesh = plsc.VectorSubcoreMesh(core_axis_name="c", subcore_axis_name="s")
_sc_params = pltpu.CompilerParams(use_tc_tiling_on_sc=False)



@functools.partial(
    pl.kernel,
    out_type=jax.ShapeDtypeStruct((NC, PAD_N, 16), jnp.float32),
    mesh=_mesh,
    compiler_params=_sc_params,
    scratch_types=[
        pltpu.VMEM((NIDX * CHUNK,), jnp.int32),
        pltpu.VMEM((CHUNK, 16), jnp.float32),
        pltpu.VMEM_SHARED((PAD_N, 16), jnp.float32),
    ],
)
def _deg_kernel(dst_hbm, zeros_hbm, ones_hbm, out_hbm, dst_v, ones_v, acc):
    cid = lax.axis_index("c")
    sid = lax.axis_index("s")
    wid = cid * NS + sid
    nbase = sid * NPT
    ncha = CBASE + 2 * (wid >= NW - 2)
    ebase = CBASE * wid + 2 * jnp.maximum(0, wid - (NW - 2))
    pltpu.sync_copy(zeros_hbm.at[pl.ds(nbase, NPT)], acc.at[pl.ds(nbase, NPT)])
    pltpu.sync_copy(ones_hbm, ones_v)
    pltpu.sync_copy(dst_hbm.at[pl.ds(ebase * CHUNK, NIDX * CHUNK)], dst_v)
    plsc.subcore_barrier()

    @pl.loop(0, ncha)
    def _(j):
        pltpu.sync_copy(ones_v, acc.at[dst_v.at[pl.ds(j * CHUNK, CHUNK)]],
                        add=True)

    plsc.subcore_barrier()
    pltpu.sync_copy(acc.at[pl.ds(nbase, NPT)],
                    out_hbm.at[cid, pl.ds(nbase, NPT)])



@functools.partial(
    pl.kernel,
    out_type=jax.ShapeDtypeStruct((NC, PAD_N, D), jnp.bfloat16),
    mesh=_mesh,
    compiler_params=_sc_params,
    scratch_types=[
        pltpu.VMEM((NIDX * CHUNK,), jnp.int32),
        pltpu.VMEM((NIDX * CHUNK,), jnp.int32),
        pltpu.VMEM((CHUNK, D), jnp.bfloat16),
        pltpu.VMEM((CHUNK, D), jnp.bfloat16),
        pltpu.SemaphoreType.DMA,
        pltpu.SemaphoreType.DMA,
        pltpu.SemaphoreType.DMA,
        pltpu.SemaphoreType.DMA,
        pltpu.VMEM_SHARED((PAD_N, D), jnp.bfloat16),
        pltpu.VMEM_SHARED((PAD_N, D), jnp.bfloat16),
    ],
)
def _hop_kernel(t_hbm, src_hbm, dst_hbm, out_hbm,
                src_v, dst_v, rows0, rows1, gsem0, gsem1, ssem0, ssem1,
                acc, t_sh):
    cid = lax.axis_index("c")
    sid = lax.axis_index("s")
    wid = cid * NS + sid
    nbase = sid * NPT
    ncha = CBASE + 2 * (wid >= NW - 2)
    ebase = CBASE * wid + 2 * jnp.maximum(0, wid - (NW - 2))
    pltpu.sync_copy(t_hbm.at[pl.ds(nbase, NPT)], acc.at[pl.ds(nbase, NPT)])
    pltpu.sync_copy(t_hbm.at[pl.ds(nbase, NPT)], t_sh.at[pl.ds(nbase, NPT)])
    pltpu.sync_copy(src_hbm.at[pl.ds(ebase * CHUNK, NIDX * CHUNK)], src_v)
    pltpu.sync_copy(dst_hbm.at[pl.ds(ebase * CHUNK, NIDX * CHUNK)], dst_v)
    plsc.subcore_barrier()

    bufs = (rows0, rows1)
    gsems = (gsem0, gsem1)
    ssems = (ssem0, ssem1)
    pltpu.async_copy(t_sh.at[src_v.at[pl.ds(0, CHUNK)]], rows0, gsem0)

    @pl.loop(0, ncha, step=2)
    def _(j):
        for b in range(2):
            jj = j + b
            ob = 1 - b
            pltpu.make_async_copy(t_sh.at[src_v.at[pl.ds(jj * CHUNK, CHUNK)]],
                                  bufs[b], gsems[b]).wait()

            @pl.when(jj > 0)
            def _():
                pltpu.make_async_copy(
                    bufs[ob], acc.at[dst_v.at[pl.ds((jj - 1) * CHUNK, CHUNK)]],
                    ssems[ob]).wait()

            pltpu.async_copy(bufs[b], acc.at[dst_v.at[pl.ds(jj * CHUNK, CHUNK)]],
                             ssems[b], add=True)

            @pl.when(jj + 1 < ncha)
            def _():
                pltpu.async_copy(t_sh.at[src_v.at[pl.ds((jj + 1) * CHUNK, CHUNK)]],
                                 bufs[ob], gsems[ob])

    pltpu.make_async_copy(
        bufs[1], acc.at[dst_v.at[pl.ds((ncha - 1) * CHUNK, CHUNK)]],
        ssems[1]).wait()

    plsc.subcore_barrier()
    pltpu.sync_copy(acc.at[pl.ds(nbase, NPT)],
                    out_hbm.at[cid, pl.ds(nbase, NPT)])



def _deg_cols(d_ref):
    return 1.0 + d_ref[0, :, 0:1] + d_ref[1, :, 0:1]


def _prep_body(x_ref, w_ref, d_ref, t0_ref):
    y = lax.dot_general(x_ref[...], w_ref[...], (((1,), (1,)), ((), ())),
                        preferred_element_type=jnp.float32,
                        precision=lax.Precision.HIGHEST)
    t0_ref[...] = (y * lax.rsqrt(_deg_cols(d_ref))).astype(jnp.bfloat16)


_prep = pl.pallas_call(
    _prep_body,
    grid=(PAD_N // BLK,),
    in_specs=[
        pl.BlockSpec((BLK, IN_DIM), lambda i: (i, 0)),
        pl.BlockSpec((D, IN_DIM), lambda i: (0, 0)),
        pl.BlockSpec((NC, BLK, 16), lambda i: (0, i, 0)),
    ],
    out_specs=pl.BlockSpec((BLK, D), lambda i: (i, 0)),
    out_shape=jax.ShapeDtypeStruct((PAD_N, D), jnp.bfloat16),
)


def _mid_body(p_ref, t_ref, d_ref, o_ref):
    u = (p_ref[0].astype(jnp.float32) + p_ref[1].astype(jnp.float32)
         - t_ref[...].astype(jnp.float32))
    o_ref[...] = (u / _deg_cols(d_ref)).astype(jnp.bfloat16)


_mid = pl.pallas_call(
    _mid_body,
    grid=(PAD_N // BLK,),
    in_specs=[
        pl.BlockSpec((NC, BLK, D), lambda i: (0, i, 0)),
        pl.BlockSpec((BLK, D), lambda i: (i, 0)),
        pl.BlockSpec((NC, BLK, 16), lambda i: (0, i, 0)),
    ],
    out_specs=pl.BlockSpec((BLK, D), lambda i: (i, 0)),
    out_shape=jax.ShapeDtypeStruct((PAD_N, D), jnp.bfloat16),
)


def _final_body(q_ref, t_ref, d_ref, b_ref, o_ref):
    h = (q_ref[0].astype(jnp.float32) + q_ref[1].astype(jnp.float32)
         - t_ref[...].astype(jnp.float32)) * lax.rsqrt(_deg_cols(d_ref))
    z = h + b_ref[0:1, :]
    s = z - jnp.max(z, axis=1, keepdims=True)
    out = s - jnp.log(jnp.sum(jnp.exp(s), axis=1, keepdims=True))
    o_ref[...] = out[:N_NODES, :]


_final = pl.pallas_call(
    _final_body,
    grid=(1,),
    in_specs=[
        pl.BlockSpec((NC, BLK, D), lambda i: (0, 0, 0)),
        pl.BlockSpec((BLK, D), lambda i: (0, 0)),
        pl.BlockSpec((NC, BLK, 16), lambda i: (0, 0, 0)),
        pl.BlockSpec((8, D), lambda i: (0, 0)),
    ],
    out_specs=pl.BlockSpec((N_NODES, D), lambda i: (0, 0)),
    out_shape=jax.ShapeDtypeStruct((N_NODES, D), jnp.float32),
)



def kernel(x, edge_index, W, b):
    src1d = edge_index[0].astype(jnp.int32)
    dst1d = edge_index[1].astype(jnp.int32)
    zeros16 = jnp.zeros((PAD_N, 16), jnp.float32)
    ones16 = jnp.ones((CHUNK, 16), jnp.float32)
    deg16 = _deg_kernel(dst1d, zeros16, ones16)

    xp = jnp.pad(x.astype(jnp.float32), ((0, PAD_N - N_NODES), (0, 0)))
    t0 = _prep(xp, W, deg16)
    p = _hop_kernel(t0, src1d, dst1d)
    t1 = _mid(p, t0, deg16)
    q = _hop_kernel(t1, src1d, dst1d)
    b2d = jnp.broadcast_to(b.reshape(1, D), (8, D))
    return _final(q, t1, deg16, b2d)

# --- scband reference (transcript-rebuilt; emitter-appended) ---
"""Pipeline reference for scband-sgc-77129022701608 (READ-ONLY COPY).

The authoritative reference and input builder live on the scoring server;
editing this copy changes nothing except your own understanding.
"""

import jax, jax.numpy as jnp
import numpy as np

N_NODES = 10000
IN_DIM = 128
NUM_CLASSES = 64
K_HOPS = 2
N_EDGES = 320000


def setup_inputs(seed: int = 0) -> dict:
    key = jax.random.key(seed)
    k1, k2, k3, k4 = jax.random.split(key, 4)
    x = jax.random.normal(k1, (N_NODES, IN_DIM), dtype=jnp.float32)
    edge_index = jax.random.randint(k2, (2, N_EDGES), 0, N_NODES, dtype=jnp.int64)
    # Linear layer parameters (PyTorch nn.Linear convention: W [out, in], b [out])
    bound = 1.0 / np.sqrt(IN_DIM)
    W = jax.random.uniform(k3, (NUM_CLASSES, IN_DIM), dtype=jnp.float32, minval=-bound, maxval=bound)
    b = jax.random.uniform(k4, (NUM_CLASSES,), dtype=jnp.float32, minval=-bound, maxval=bound)
    return {"x": x, "edge_index": edge_index, "W": W, "b": b}


def reference(x, edge_index, W, b):
    N = x.shape[0]
    src = edge_index[0]
    dst = edge_index[1]
    # add self loops (gcn_norm with add_self_loops=True)
    loop = jnp.arange(N, dtype=edge_index.dtype)
    src = jnp.concatenate([src, loop])
    dst = jnp.concatenate([dst, loop])
    # symmetric normalization: deg computed at destination nodes
    deg = jnp.zeros((N,), dtype=x.dtype).at[dst].add(1.0)
    deg_inv_sqrt = jnp.where(deg > 0, 1.0 / jnp.sqrt(deg), 0.0)
    norm = deg_inv_sqrt[src] * deg_inv_sqrt[dst]
    # K hops of propagation: h <- (D^-1/2 (A+I) D^-1/2) h
    h = x
    for _ in range(K_HOPS):
        msg = norm[:, None] * jnp.take(h, src, axis=0)
        h = jnp.zeros_like(h).at[dst].add(msg)
    # linear layer
    out = h @ W.T + b
    # log_softmax over classes
    return jax.nn.log_softmax(out, axis=1)

if __name__ == "__main__":
    import jax
    _d = setup_inputs()
    print(jax.jit(kernel)(*tuple(_d.values())))

</pallas_src>

<mosaic_0001>
#map = affine_map<(d0, d1) -> (0)>
#map1 = affine_map<(d0, d1) -> (0, 0)>
#map2 = affine_map<(d0, d1) -> (0, 0, 0)>
module attributes {stable_mosaic.version = 14 : i64} {
  func.func @_deg_kernel(%arg0: i32, %arg1: i32, %arg2: memref<320000xi32, #tpu.memory_space<hbm>>, %arg3: memref<10240x16xf32, #tpu.memory_space<hbm>>, %arg4: memref<128x16xf32, #tpu.memory_space<hbm>>, %arg5: memref<2x10240x16xf32, #tpu.memory_space<hbm>>, %arg6: memref<10240xi32, #tpu.memory_space<vmem>>, %arg7: memref<128x16xf32, #tpu.memory_space<vmem>>, %arg8: memref<10240x16xf32, #tpu.memory_space<vmem_shared>>) attributes {dimension_semantics = [#tpu.dimension_semantics<core_parallel>, #tpu.dimension_semantics<subcore_parallel>], iteration_bounds = array<i64: 2, 16>, scalar_prefetch = 0 : i64, scratch_operands = 3 : i64, tpu.core_type = #tpu.core_type<sc_vector_subcore>, window_params = [{transform_indices = #map}, {transform_indices = #map1}, {transform_indices = #map1}, {transform_indices = #map2}]} {
    %mul3A = arith.constant 16 : i32
    %mul3A_0 = arith.muli %arg0, %mul3A : i32
    %add3A = arith.addi %mul3A_0, %arg1 : i32
    %mul3A_1 = arith.constant 640 : i32
    %mul3A_2 = arith.muli %arg1, %mul3A_1 : i32
    %ge3A = arith.constant 30 : i32
    %ge3A_3 = arith.cmpi sge, %add3A, %ge3A : i32
    %convert_element_type3A = arith.extui %ge3A_3 : i1 to i32
    %mul3A_4 = arith.constant 2 : i32
    %mul3A_5 = arith.muli %mul3A_4, %convert_element_type3A : i32
    %add3A_6 = arith.constant 78 : i32
    %add3A_7 = arith.addi %add3A_6, %mul3A_5 : i32
    %mul3A_8 = arith.constant 78 : i32
    %mul3A_9 = arith.muli %mul3A_8, %add3A : i32
    %sub3A = arith.constant 30 : i32
    %sub3A_10 = arith.subi %add3A, %sub3A : i32
    %max3A = arith.constant 0 : i32
    %max3A_11 = arith.maxsi %max3A, %sub3A_10 : i32
    %mul3A_12 = arith.constant 2 : i32
    %mul3A_13 = arith.muli %mul3A_12, %max3A_11 : i32
    %add3A_14 = arith.addi %mul3A_9, %mul3A_13 : i32
    "tpu.region"() ({
      %run_scoped3A = tpu.sem_alloc : memref<!tpu.dma_semaphore, #tpu.memory_space<semaphore_mem>>
      %dma_start3A = arith.constant 0 : i32
      %dma_start3A_35 = tpu.memref_slice %arg8[%mul3A_2, %dma_start3A] : memref<10240x16xf32, #tpu.memory_space<vmem_shared>> -> memref<640x16xf32, #tpu.memory_space<vmem_shared>>
      %dma_start3A_36 = arith.constant 0 : i32
      %dma_start3A_37 = tpu.memref_slice %arg3[%mul3A_2, %dma_start3A_36] : memref<10240x16xf32, #tpu.memory_space<hbm>> -> memref<640x16xf32, #tpu.memory_space<hbm>>
      tpu.enqueue_dma source(%dma_start3A_37 : memref<640x16xf32, #tpu.memory_space<hbm>>) target(%dma_start3A_35 : memref<640x16xf32, #tpu.memory_space<vmem_shared>>) target_semaphore(%run_scoped3A : memref<!tpu.dma_semaphore, #tpu.memory_space<semaphore_mem>>)
      %dma_wait3A = arith.constant 0 : i32
      %dma_wait3A_38 = tpu.memref_slice %arg8[%mul3A_2, %dma_wait3A] : memref<10240x16xf32, #tpu.memory_space<vmem_shared>> -> memref<640x16xf32, #tpu.memory_space<vmem_shared>>
      %dma_wait3A_39 = arith.constant 0 : i32
      %dma_wait3A_40 = tpu.memref_slice %arg3[%mul3A_2, %dma_wait3A_39] : memref<10240x16xf32, #tpu.memory_space<hbm>> -> memref<640x16xf32, #tpu.memory_space<hbm>>
      tpu.wait_dma2 semaphore(%run_scoped3A : memref<!tpu.dma_semaphore, #tpu.memory_space<semaphore_mem>>) src(%dma_wait3A_40 : memref<640x16xf32, #tpu.memory_space<hbm>>) dst(%dma_wait3A_38 : memref<640x16xf32, #tpu.memory_space<vmem_shared>>)
      tpu.yield
    }) : () -> ()
    "tpu.region"() ({
      %run_scoped3A = tpu.sem_alloc : memref<!tpu.dma_semaphore, #tpu.memory_space<semaphore_mem>>
      tpu.enqueue_dma source(%arg4 : memref<128x16xf32, #tpu.memory_space<hbm>>) target(%arg7 : memref<128x16xf32, #tpu.memory_space<vmem>>) target_semaphore(%run_scoped3A : memref<!tpu.dma_semaphore, #tpu.memory_space<semaphore_mem>>)
      tpu.wait_dma2 semaphore(%run_scoped3A : memref<!tpu.dma_semaphore, #tpu.memory_space<semaphore_mem>>) src(%arg4 : memref<128x16xf32, #tpu.memory_space<hbm>>) dst(%arg7 : memref<128x16xf32, #tpu.memory_space<vmem>>)
      tpu.yield
    }) : () -> ()
    %mul3A_15 = arith.constant 128 : i32
    %mul3A_16 = arith.muli %add3A_14, %mul3A_15 : i32
    "tpu.region"() ({
      %run_scoped3A = tpu.sem_alloc : memref<!tpu.dma_semaphore, #tpu.memory_space<semaphore_mem>>
      %dma_start3A = tpu.memref_slice %arg2[%mul3A_16] : memref<320000xi32, #tpu.memory_space<hbm>> -> memref<10240xi32, #tpu.memory_space<hbm>>
      %dma_start3A_35 = tpu.memref_slice %arg2[%mul3A_16] : memref<320000xi32, #tpu.memory_space<hbm>> -> memref<10240xi32, #tpu.memory_space<hbm>>
      tpu.enqueue_dma source(%dma_start3A_35 : memref<10240xi32, #tpu.memory_space<hbm>>) target(%arg6 : memref<10240xi32, #tpu.memory_space<vmem>>) target_semaphore(%run_scoped3A : memref<!tpu.dma_semaphore, #tpu.memory_space<semaphore_mem>>)
      %dma_wait3A = tpu.memref_slice %arg2[%mul3A_16] : memref<320000xi32, #tpu.memory_space<hbm>> -> memref<10240xi32, #tpu.memory_space<hbm>>
      %dma_wait3A_36 = tpu.memref_slice %arg2[%mul3A_16] : memref<320000xi32, #tpu.memory_space<hbm>> -> memref<10240xi32, #tpu.memory_space<hbm>>
      tpu.wait_dma2 semaphore(%run_scoped3A : memref<!tpu.dma_semaphore, #tpu.memory_space<semaphore_mem>>) src(%dma_wait3A_36 : memref<10240xi32, #tpu.memory_space<hbm>>) dst(%arg6 : memref<10240xi32, #tpu.memory_space<vmem>>)
      tpu.yield
    }) : () -> ()
    %barrier3A = arith.constant 0 : index
    tpu.barrier barrier_id(%barrier3A)
    %sub3A_17 = arith.constant 0 : i32
    %sub3A_18 = arith.subi %add3A_7, %sub3A_17 : i32
    %sub3A_19 = arith.constant 1 : i32
    %sub3A_20 = arith.constant 1 : i32
    %sub3A_21 = arith.subi %sub3A_19, %sub3A_20 : i32
    %add3A_22 = arith.addi %sub3A_18, %sub3A_21 : i32
    %div3A = arith.constant 1 : i32
    %div3A_23 = arith.divsi %add3A_22, %div3A : i32
    %while3A = arith.constant 1 : i32
    %while3A_24 = arith.constant 0 : i32
    %while3A_25 = arith.constant 0 : i32
    %while3A_26 = arith.subi %div3A_23, %while3A_25 : i32
    %while3A_27 = arith.addi %while3A_25, %while3A_26 : i32
    %while3A_28 = arith.constant 1 : i32
    %while3A_29 = arith.divsi %while3A_26, %while3A_28 : i32
    %while3A_30 = arith.muli %while3A_29, %while3A_28 : i32
    %while3A_31 = arith.addi %while3A_25, %while3A_30 : i32
    %while3A_32 = arith.constant 1 : i32
    scf.for %while3A_35 = %while3A_25 to %while3A_31 step %while3A_32  : i32 {
      %mul3A_36 = arith.muli %while3A_35, %while3A : i32
      %add3A_37 = arith.addi %while3A_24, %mul3A_36 : i32
      %mul3A_38 = arith.constant 128 : i32
      %mul3A_39 = arith.muli %add3A_37, %mul3A_38 : i32
      "tpu.region"() ({
        %run_scoped3A = tpu.sem_alloc : memref<!tpu.dma_semaphore, #tpu.memory_space<semaphore_mem>>
        %dma_start3A = tpu.memref_slice %arg6[%mul3A_39] : memref<10240xi32, #tpu.memory_space<vmem>> -> memref<128xi32, #tpu.memory_space<vmem>>
        %dma_start3A_40 = arith.constant 0 : i32
        %dma_start3A_41 = arith.constant 0 : i32
        %dma_start3A_42 = tpu.memref_slice %arg8[%dma_start3A_40, %dma_start3A_41] : memref<10240x16xf32, #tpu.memory_space<vmem_shared>> -> memref<10240x16xf32, #tpu.memory_space<vmem_shared>>
        tpu.enqueue_indirect_dma source(%arg7 : memref<128x16xf32, #tpu.memory_space<vmem>>) target(%dma_start3A_42 : memref<10240x16xf32, #tpu.memory_space<vmem_shared>>) offsets(%dma_start3A : memref<128xi32, #tpu.memory_space<vmem>>) semaphore(%run_scoped3A : memref<!tpu.dma_semaphore, #tpu.memory_space<semaphore_mem>>) {add = true}
        %dma_wait3A = tpu.memref_slice %arg6[%mul3A_39] : memref<10240xi32, #tpu.memory_space<vmem>> -> memref<128xi32, #tpu.memory_space<vmem>>
        %dma_wait3A_43 = arith.constant 0 : i32
        %dma_wait3A_44 = arith.constant 0 : i32
        %dma_wait3A_45 = tpu.memref_slice %arg8[%dma_wait3A_43, %dma_wait3A_44] : memref<10240x16xf32, #tpu.memory_space<vmem_shared>> -> memref<10240x16xf32, #tpu.memory_space<vmem_shared>>
        tpu.wait_indirect_dma semaphore(%run_scoped3A : memref<!tpu.dma_semaphore, #tpu.memory_space<semaphore_mem>>) src(%arg7 : memref<128x16xf32, #tpu.memory_space<vmem>>) dst(%dma_wait3A_45 : memref<10240x16xf32, #tpu.memory_space<vmem_shared>>)
        tpu.yield
      }) : () -> ()
    }
    %while3A_33 = arith.constant 1 : i32
    scf.for %while3A_35 = %while3A_31 to %while3A_27 step %while3A_33  : i32 {
      %mul3A_36 = arith.muli %while3A_35, %while3A : i32
      %add3A_37 = arith.addi %while3A_24, %mul3A_36 : i32
      %mul3A_38 = arith.constant 128 : i32
      %mul3A_39 = arith.muli %add3A_37, %mul3A_38 : i32
      "tpu.region"() ({
        %run_scoped3A = tpu.sem_alloc : memref<!tpu.dma_semaphore, #tpu.memory_space<semaphore_mem>>
        %dma_start3A = tpu.memref_slice %arg6[%mul3A_39] : memref<10240xi32, #tpu.memory_space<vmem>> -> memref<128xi32, #tpu.memory_space<vmem>>
        %dma_start3A_40 = arith.constant 0 : i32
        %dma_start3A_41 = arith.constant 0 : i32
        %dma_start3A_42 = tpu.memref_slice %arg8[%dma_start3A_40, %dma_start3A_41] : memref<10240x16xf32, #tpu.memory_space<vmem_shared>> -> memref<10240x16xf32, #tpu.memory_space<vmem_shared>>
        tpu.enqueue_indirect_dma source(%arg7 : memref<128x16xf32, #tpu.memory_space<vmem>>) target(%dma_start3A_42 : memref<10240x16xf32, #tpu.memory_space<vmem_shared>>) offsets(%dma_start3A : memref<128xi32, #tpu.memory_space<vmem>>) semaphore(%run_scoped3A : memref<!tpu.dma_semaphore, #tpu.memory_space<semaphore_mem>>) {add = true}
        %dma_wait3A = tpu.memref_slice %arg6[%mul3A_39] : memref<10240xi32, #tpu.memory_space<vmem>> -> memref<128xi32, #tpu.memory_space<vmem>>
        %dma_wait3A_43 = arith.constant 0 : i32
        %dma_wait3A_44 = arith.constant 0 : i32
        %dma_wait3A_45 = tpu.memref_slice %arg8[%dma_wait3A_43, %dma_wait3A_44] : memref<10240x16xf32, #tpu.memory_space<vmem_shared>> -> memref<10240x16xf32, #tpu.memory_space<vmem_shared>>
        tpu.wait_indirect_dma semaphore(%run_scoped3A : memref<!tpu.dma_semaphore, #tpu.memory_space<semaphore_mem>>) src(%arg7 : memref<128x16xf32, #tpu.memory_space<vmem>>) dst(%dma_wait3A_45 : memref<10240x16xf32, #tpu.memory_space<vmem_shared>>)
        tpu.yield
      }) : () -> ()
    }
    %barrier3A_34 = arith.constant 0 : index
    tpu.barrier barrier_id(%barrier3A_34)
    "tpu.region"() ({
      %run_scoped3A = tpu.sem_alloc : memref<!tpu.dma_semaphore, #tpu.memory_space<semaphore_mem>>
      %dma_start3A = arith.constant 0 : i32
      %dma_start3A_35 = tpu.memref_slice %arg5[%arg0, %mul3A_2, %dma_start3A] : memref<2x10240x16xf32, #tpu.memory_space<hbm>> -> memref<1x640x16xf32, #tpu.memory_space<hbm>>
      %dma_start3A_36 = tpu.memref_squeeze %dma_start3A_35 : memref<1x640x16xf32, #tpu.memory_space<hbm>> -> memref<640x16xf32, #tpu.memory_space<hbm>>
      %dma_start3A_37 = arith.constant 0 : i32
      %dma_start3A_38 = tpu.memref_slice %arg8[%mul3A_2, %dma_start3A_37] : memref<10240x16xf32, #tpu.memory_space<vmem_shared>> -> memref<640x16xf32, #tpu.memory_space<vmem_shared>>
      tpu.enqueue_dma source(%dma_start3A_38 : memref<640x16xf32, #tpu.memory_space<vmem_shared>>) target(%dma_start3A_36 : memref<640x16xf32, #tpu.memory_space<hbm>>) target_semaphore(%run_scoped3A : memref<!tpu.dma_semaphore, #tpu.memory_space<semaphore_mem>>)
      %dma_wait3A = arith.constant 0 : i32
      %dma_wait3A_39 = tpu.memref_slice %arg5[%arg0, %mul3A_2, %dma_wait3A] : memref<2x10240x16xf32, #tpu.memory_space<hbm>> -> memref<1x640x16xf32, #tpu.memory_space<hbm>>
      %dma_wait3A_40 = tpu.memref_squeeze %dma_wait3A_39 : memref<1x640x16xf32, #tpu.memory_space<hbm>> -> memref<640x16xf32, #tpu.memory_space<hbm>>
      %dma_wait3A_41 = arith.constant 0 : i32
      %dma_wait3A_42 = tpu.memref_slice %arg8[%mul3A_2, %dma_wait3A_41] : memref<10240x16xf32, #tpu.memory_space<vmem_shared>> -> memref<640x16xf32, #tpu.memory_space<vmem_shared>>
      tpu.wait_dma2 semaphore(%run_scoped3A : memref<!tpu.dma_semaphore, #tpu.memory_space<semaphore_mem>>) src(%dma_wait3A_42 : memref<640x16xf32, #tpu.memory_space<vmem_shared>>) dst(%dma_wait3A_40 : memref<640x16xf32, #tpu.memory_space<hbm>>)
      tpu.yield
    }) : () -> ()
    return
  }
}

#map = affine_map<(d0, d1) -> (0, 0)>
#map1 = affine_map<(d0, d1) -> (0)>
#map2 = affine_map<(d0, d1) -> (0, 0, 0)>
module attributes {stable_mosaic.version = 14 : i64} {
  func.func @_hop_kernel(%arg0: i32, %arg1: i32, %arg2: memref<10240x64xbf16, #tpu.memory_space<hbm>>, %arg3: memref<320000xi32, #tpu.memory_space<hbm>>, %arg4: memref<320000xi32, #tpu.memory_space<hbm>>, %arg5: memref<2x10240x64xbf16, #tpu.memory_space<hbm>>, %arg6: memref<10240xi32, #tpu.memory_space<vmem>>, %arg7: memref<10240xi32, #tpu.memory_space<vmem>>, %arg8: memref<128x64xbf16, #tpu.memory_space<vmem>>, %arg9: memref<128x64xbf16, #tpu.memory_space<vmem>>, %arg10: memref<!tpu.dma_semaphore, #tpu.memory_space<semaphore_mem>>, %arg11: memref<!tpu.dma_semaphore, #tpu.memory_space<semaphore_mem>>, %arg12: memref<!tpu.dma_semaphore, #tpu.memory_space<semaphore_mem>>, %arg13: memref<!tpu.dma_semaphore, #tpu.memory_space<semaphore_mem>>, %arg14: memref<10240x64xbf16, #tpu.memory_space<vmem_shared>>, %arg15: memref<10240x64xbf16, #tpu.memory_space<vmem_shared>>) attributes {dimension_semantics = [#tpu.dimension_semantics<core_parallel>, #tpu.dimension_semantics<subcore_parallel>], iteration_bounds = array<i64: 2, 16>, scalar_prefetch = 0 : i64, scratch_operands = 10 : i64, tpu.core_type = #tpu.core_type<sc_vector_subcore>, window_params = [{transform_indices = #map}, {transform_indices = #map1}, {transform_indices = #map1}, {transform_indices = #map2}]} {
    %mul3A = arith.constant 16 : i32
    %mul3A_0 = arith.muli %arg0, %mul3A : i32
    %add3A = arith.addi %mul3A_0, %arg1 : i32
    %mul3A_1 = arith.constant 640 : i32
    %mul3A_2 = arith.muli %arg1, %mul3A_1 : i32
    %ge3A = arith.constant 30 : i32
    %ge3A_3 = arith.cmpi sge, %add3A, %ge3A : i32
    %convert_element_type3A = arith.extui %ge3A_3 : i1 to i32
    %mul3A_4 = arith.constant 2 : i32
    %mul3A_5 = arith.muli %mul3A_4, %convert_element_type3A : i32
    %add3A_6 = arith.constant 78 : i32
    %add3A_7 = arith.addi %add3A_6, %mul3A_5 : i32
    %mul3A_8 = arith.constant 78 : i32
    %mul3A_9 = arith.muli %mul3A_8, %add3A : i32
    %sub3A = arith.constant 30 : i32
    %sub3A_10 = arith.subi %add3A, %sub3A : i32
    %max3A = arith.constant 0 : i32
    %max3A_11 = arith.maxsi %max3A, %sub3A_10 : i32
    %mul3A_12 = arith.constant 2 : i32
    %mul3A_13 = arith.muli %mul3A_12, %max3A_11 : i32
    %add3A_14 = arith.addi %mul3A_9, %mul3A_13 : i32
    "tpu.region"() ({
      %run_scoped3A = tpu.sem_alloc : memref<!tpu.dma_semaphore, #tpu.memory_space<semaphore_mem>>
      %dma_start3A_48 = arith.constant 0 : i32
      %dma_start3A_49 = tpu.memref_slice %arg14[%mul3A_2, %dma_start3A_48] : memref<10240x64xbf16, #tpu.memory_space<vmem_shared>> -> memref<640x64xbf16, #tpu.memory_space<vmem_shared>>
      %dma_start3A_50 = arith.constant 0 : i32
      %dma_start3A_51 = tpu.memref_slice %arg2[%mul3A_2, %dma_start3A_50] : memref<10240x64xbf16, #tpu.memory_space<hbm>> -> memref<640x64xbf16, #tpu.memory_space<hbm>>
      tpu.enqueue_dma source(%dma_start3A_51 : memref<640x64xbf16, #tpu.memory_space<hbm>>) target(%dma_start3A_49 : memref<640x64xbf16, #tpu.memory_space<vmem_shared>>) target_semaphore(%run_scoped3A : memref<!tpu.dma_semaphore, #tpu.memory_space<semaphore_mem>>)
      %dma_wait3A_52 = arith.constant 0 : i32
      %dma_wait3A_53 = tpu.memref_slice %arg14[%mul3A_2, %dma_wait3A_52] : memref<10240x64xbf16, #tpu.memory_space<vmem_shared>> -> memref<640x64xbf16, #tpu.memory_space<vmem_shared>>
      %dma_wait3A_54 = arith.constant 0 : i32
      %dma_wait3A_55 = tpu.memref_slice %arg2[%mul3A_2, %dma_wait3A_54] : memref<10240x64xbf16, #tpu.memory_space<hbm>> -> memref<640x64xbf16, #tpu.memory_space<hbm>>
      tpu.wait_dma2 semaphore(%run_scoped3A : memref<!tpu.dma_semaphore, #tpu.memory_space<semaphore_mem>>) src(%dma_wait3A_55 : memref<640x64xbf16, #tpu.memory_space<hbm>>) dst(%dma_wait3A_53 : memref<640x64xbf16, #tpu.memory_space<vmem_shared>>)
      tpu.yield
    }) : () -> ()
    "tpu.region"() ({
      %run_scoped3A = tpu.sem_alloc : memref<!tpu.dma_semaphore, #tpu.memory_space<semaphore_mem>>
      %dma_start3A_48 = arith.constant 0 : i32
      %dma_start3A_49 = tpu.memref_slice %arg15[%mul3A_2, %dma_start3A_48] : memref<10240x64xbf16, #tpu.memory_space<vmem_shared>> -> memref<640x64xbf16, #tpu.memory_space<vmem_shared>>
      %dma_start3A_50 = arith.constant 0 : i32
      %dma_start3A_51 = tpu.memref_slice %arg2[%mul3A_2, %dma_start3A_50] : memref<10240x64xbf16, #tpu.memory_space<hbm>> -> memref<640x64xbf16, #tpu.memory_space<hbm>>
      tpu.enqueue_dma source(%dma_start3A_51 : memref<640x64xbf16, #tpu.memory_space<hbm>>) target(%dma_start3A_49 : memref<640x64xbf16, #tpu.memory_space<vmem_shared>>) target_semaphore(%run_scoped3A : memref<!tpu.dma_semaphore, #tpu.memory_space<semaphore_mem>>)
      %dma_wait3A_52 = arith.constant 0 : i32
      %dma_wait3A_53 = tpu.memref_slice %arg15[%mul3A_2, %dma_wait3A_52] : memref<10240x64xbf16, #tpu.memory_space<vmem_shared>> -> memref<640x64xbf16, #tpu.memory_space<vmem_shared>>
      %dma_wait3A_54 = arith.constant 0 : i32
      %dma_wait3A_55 = tpu.memref_slice %arg2[%mul3A_2, %dma_wait3A_54] : memref<10240x64xbf16, #tpu.memory_space<hbm>> -> memref<640x64xbf16, #tpu.memory_space<hbm>>
      tpu.wait_dma2 semaphore(%run_scoped3A : memref<!tpu.dma_semaphore, #tpu.memory_space<semaphore_mem>>) src(%dma_wait3A_55 : memref<640x64xbf16, #tpu.memory_space<hbm>>) dst(%dma_wait3A_53 : memref<640x64xbf16, #tpu.memory_space<vmem_shared>>)
      tpu.yield
    }) : () -> ()
    %mul3A_15 = arith.constant 128 : i32
    %mul3A_16 = arith.muli %add3A_14, %mul3A_15 : i32
    "tpu.region"() ({
      %run_scoped3A = tpu.sem_alloc : memref<!tpu.dma_semaphore, #tpu.memory_space<semaphore_mem>>
      %dma_start3A_48 = tpu.memref_slice %arg3[%mul3A_16] : memref<320000xi32, #tpu.memory_space<hbm>> -> memref<10240xi32, #tpu.memory_space<hbm>>
      %dma_start3A_49 = tpu.memref_slice %arg3[%mul3A_16] : memref<320000xi32, #tpu.memory_space<hbm>> -> memref<10240xi32, #tpu.memory_space<hbm>>
      tpu.enqueue_dma source(%dma_start3A_49 : memref<10240xi32, #tpu.memory_space<hbm>>) target(%arg6 : memref<10240xi32, #tpu.memory_space<vmem>>) target_semaphore(%run_scoped3A : memref<!tpu.dma_semaphore, #tpu.memory_space<semaphore_mem>>)
      %dma_wait3A_50 = tpu.memref_slice %arg3[%mul3A_16] : memref<320000xi32, #tpu.memory_space<hbm>> -> memref<10240xi32, #tpu.memory_space<hbm>>
      %dma_wait3A_51 = tpu.memref_slice %arg3[%mul3A_16] : memref<320000xi32, #tpu.memory_space<hbm>> -> memref<10240xi32, #tpu.memory_space<hbm>>
      tpu.wait_dma2 semaphore(%run_scoped3A : memref<!tpu.dma_semaphore, #tpu.memory_space<semaphore_mem>>) src(%dma_wait3A_51 : memref<10240xi32, #tpu.memory_space<hbm>>) dst(%arg6 : memref<10240xi32, #tpu.memory_space<vmem>>)
      tpu.yield
    }) : () -> ()
    %mul3A_17 = arith.constant 128 : i32
    %mul3A_18 = arith.muli %add3A_14, %mul3A_17 : i32
    "tpu.region"() ({
      %run_scoped3A = tpu.sem_alloc : memref<!tpu.dma_semaphore, #tpu.memory_space<semaphore_mem>>
      %dma_start3A_48 = tpu.memref_slice %arg4[%mul3A_18] : memref<320000xi32, #tpu.memory_space<hbm>> -> memref<10240xi32, #tpu.memory_space<hbm>>
      %dma_start3A_49 = tpu.memref_slice %arg4[%mul3A_18] : memref<320000xi32, #tpu.memory_space<hbm>> -> memref<10240xi32, #tpu.memory_space<hbm>>
      tpu.enqueue_dma source(%dma_start3A_49 : memref<10240xi32, #tpu.memory_space<hbm>>) target(%arg7 : memref<10240xi32, #tpu.memory_space<vmem>>) target_semaphore(%run_scoped3A : memref<!tpu.dma_semaphore, #tpu.memory_space<semaphore_mem>>)
      %dma_wait3A_50 = tpu.memref_slice %arg4[%mul3A_18] : memref<320000xi32, #tpu.memory_space<hbm>> -> memref<10240xi32, #tpu.memory_space<hbm>>
      %dma_wait3A_51 = tpu.memref_slice %arg4[%mul3A_18] : memref<320000xi32, #tpu.memory_space<hbm>> -> memref<10240xi32, #tpu.memory_space<hbm>>
      tpu.wait_dma2 semaphore(%run_scoped3A : memref<!tpu.dma_semaphore, #tpu.memory_space<semaphore_mem>>) src(%dma_wait3A_51 : memref<10240xi32, #tpu.memory_space<hbm>>) dst(%arg7 : memref<10240xi32, #tpu.memory_space<vmem>>)
      tpu.yield
    }) : () -> ()
    %barrier3A = arith.constant 0 : index
    tpu.barrier barrier_id(%barrier3A)
    %dma_start3A = arith.constant 0 : i32
    %dma_start3A_19 = tpu.memref_slice %arg6[%dma_start3A] : memref<10240xi32, #tpu.memory_space<vmem>> -> memref<128xi32, #tpu.memory_space<vmem>>
    %dma_start3A_20 = arith.constant 0 : i32
    %dma_start3A_21 = arith.constant 0 : i32
    %dma_start3A_22 = tpu.memref_slice %arg15[%dma_start3A_20, %dma_start3A_21] : memref<10240x64xbf16, #tpu.memory_space<vmem_shared>> -> memref<10240x64xbf16, #tpu.memory_space<vmem_shared>>
    tpu.enqueue_indirect_dma source(%dma_start3A_22 : memref<10240x64xbf16, #tpu.memory_space<vmem_shared>>) target(%arg8 : memref<128x64xbf16, #tpu.memory_space<vmem>>) offsets(%dma_start3A_19 : memref<128xi32, #tpu.memory_space<vmem>>) semaphore(%arg10 : memref<!tpu.dma_semaphore, #tpu.memory_space<semaphore_mem>>)
    %sub3A_23 = arith.constant 0 : i32
    %sub3A_24 = arith.subi %add3A_7, %sub3A_23 : i32
    %sub3A_25 = arith.constant 2 : i32
    %sub3A_26 = arith.constant 1 : i32
    %sub3A_27 = arith.subi %sub3A_25, %sub3A_26 : i32
    %add3A_28 = arith.addi %sub3A_24, %sub3A_27 : i32
    %div3A = arith.constant 2 : i32
    %div3A_29 = arith.divsi %add3A_28, %div3A : i32
    %while3A = arith.constant 2 : i32
    %while3A_30 = arith.constant 0 : i32
    %while3A_31 = arith.constant 0 : i32
    %while3A_32 = arith.subi %div3A_29, %while3A_31 : i32
    %while3A_33 = arith.addi %while3A_31, %while3A_32 : i32
    %while3A_34 = arith.constant 1 : i32
    %while3A_35 = arith.divsi %while3A_32, %while3A_34 : i32
    %while3A_36 = arith.muli %while3A_35, %while3A_34 : i32
    %while3A_37 = arith.addi %while3A_31, %while3A_36 : i32
    %while3A_38 = arith.constant 1 : i32
    scf.for %while3A_48 = %while3A_31 to %while3A_37 step %while3A_38  : i32 {
      %mul3A_49 = arith.muli %while3A_48, %while3A : i32
      %add3A_50 = arith.addi %while3A_30, %mul3A_49 : i32
      %add3A_51 = arith.constant 0 : i32
      %add3A_52 = arith.addi %add3A_50, %add3A_51 : i32
      %mul3A_53 = arith.constant 128 : i32
      %mul3A_54 = arith.muli %add3A_52, %mul3A_53 : i32
      %dma_wait3A_55 = tpu.memref_slice %arg6[%mul3A_54] : memref<10240xi32, #tpu.memory_space<vmem>> -> memref<128xi32, #tpu.memory_space<vmem>>
      %dma_wait3A_56 = arith.constant 0 : i32
      %dma_wait3A_57 = arith.constant 0 : i32
      %dma_wait3A_58 = tpu.memref_slice %arg15[%dma_wait3A_56, %dma_wait3A_57] : memref<10240x64xbf16, #tpu.memory_space<vmem_shared>> -> memref<10240x64xbf16, #tpu.memory_space<vmem_shared>>
      tpu.wait_indirect_dma semaphore(%arg10 : memref<!tpu.dma_semaphore, #tpu.memory_space<semaphore_mem>>) src(%dma_wait3A_58 : memref<10240x64xbf16, #tpu.memory_space<vmem_shared>>) dst(%arg8 : memref<128x64xbf16, #tpu.memory_space<vmem>>)
      %gt3A = arith.constant 0 : i32
      %gt3A_59 = arith.cmpi sgt, %add3A_52, %gt3A : i32
      %convert_element_type3A_60 = arith.extui %gt3A_59 : i1 to i32
      %cond3A = arith.constant 0 : i32
      %cond3A_61 = arith.cmpi ne, %convert_element_type3A_60, %cond3A : i32
      scf.if %cond3A_61 {
        %sub3A_98 = arith.constant 1 : i32
        %sub3A_99 = arith.subi %add3A_52, %sub3A_98 : i32
        %mul3A_100 = arith.constant 128 : i32
        %mul3A_101 = arith.muli %sub3A_99, %mul3A_100 : i32
        %dma_wait3A_102 = tpu.memref_slice %arg7[%mul3A_101] : memref<10240xi32, #tpu.memory_space<vmem>> -> memref<128xi32, #tpu.memory_space<vmem>>
        %dma_wait3A_103 = arith.constant 0 : i32
        %dma_wait3A_104 = arith.constant 0 : i32
        %dma_wait3A_105 = tpu.memref_slice %arg14[%dma_wait3A_103, %dma_wait3A_104] : memref<10240x64xbf16, #tpu.memory_space<vmem_shared>> -> memref<10240x64xbf16, #tpu.memory_space<vmem_shared>>
        tpu.wait_indirect_dma semaphore(%arg13 : memref<!tpu.dma_semaphore, #tpu.memory_space<semaphore_mem>>) src(%arg9 : memref<128x64xbf16, #tpu.memory_space<vmem>>) dst(%dma_wait3A_105 : memref<10240x64xbf16, #tpu.memory_space<vmem_shared>>)
      } else {
      }
      %mul3A_62 = arith.constant 128 : i32
      %mul3A_63 = arith.muli %add3A_52, %mul3A_62 : i32
      %dma_start3A_64 = tpu.memref_slice %arg7[%mul3A_63] : memref<10240xi32, #tpu.memory_space<vmem>> -> memref<128xi32, #tpu.memory_space<vmem>>
      %dma_start3A_65 = arith.constant 0 : i32
      %dma_start3A_66 = arith.constant 0 : i32
      %dma_start3A_67 = tpu.memref_slice %arg14[%dma_start3A_65, %dma_start3A_66] : memref<10240x64xbf16, #tpu.memory_space<vmem_shared>> -> memref<10240x64xbf16, #tpu.memory_space<vmem_shared>>
      tpu.enqueue_indirect_dma source(%arg8 : memref<128x64xbf16, #tpu.memory_space<vmem>>) target(%dma_start3A_67 : memref<10240x64xbf16, #tpu.memory_space<vmem_shared>>) offsets(%dma_start3A_64 : memref<128xi32, #tpu.memory_space<vmem>>) semaphore(%arg12 : memref<!tpu.dma_semaphore, #tpu.memory_space<semaphore_mem>>) {add = true}
      %add3A_68 = arith.constant 1 : i32
      %add3A_69 = arith.addi %add3A_52, %add3A_68 : i32
      %lt3A = arith.cmpi slt, %add3A_69, %add3A_7 : i32
      %convert_element_type3A_70 = arith.extui %lt3A : i1 to i32
      %cond3A_71 = arith.constant 0 : i32
      %cond3A_72 = arith.cmpi ne, %convert_element_type3A_70, %cond3A_71 : i32
      scf.if %cond3A_72 {
        %add3A_98 = arith.constant 1 : i32
        %add3A_99 = arith.addi %add3A_52, %add3A_98 : i32
        %mul3A_100 = arith.constant 128 : i32
        %mul3A_101 = arith.muli %add3A_99, %mul3A_100 : i32
        %dma_start3A_102 = tpu.memref_slice %arg6[%mul3A_101] : memref<10240xi32, #tpu.memory_space<vmem>> -> memref<128xi32, #tpu.memory_space<vmem>>
        %dma_start3A_103 = arith.constant 0 : i32
        %dma_start3A_104 = arith.constant 0 : i32
        %dma_start3A_105 = tpu.memref_slice %arg15[%dma_start3A_103, %dma_start3A_104] : memref<10240x64xbf16, #tpu.memory_space<vmem_shared>> -> memref<10240x64xbf16, #tpu.memory_space<vmem_shared>>
        tpu.enqueue_indirect_dma source(%dma_start3A_105 : memref<10240x64xbf16, #tpu.memory_space<vmem_shared>>) target(%arg9 : memref<128x64xbf16, #tpu.memory_space<vmem>>) offsets(%dma_start3A_102 : memref<128xi32, #tpu.memory_space<vmem>>) semaphore(%arg11 : memref<!tpu.dma_semaphore, #tpu.memory_space<semaphore_mem>>)
      } else {
      }
      %add3A_73 = arith.constant 1 : i32
      %add3A_74 = arith.addi %add3A_50, %add3A_73 : i32
      %mul3A_75 = arith.constant 128 : i32
      %mul3A_76 = arith.muli %add3A_74, %mul3A_75 : i32
      %dma_wait3A_77 = tpu.memref_slice %arg6[%mul3A_76] : memref<10240xi32, #tpu.memory_space<vmem>> -> memref<128xi32, #tpu.memory_space<vmem>>
      %dma_wait3A_78 = arith.constant 0 : i32
      %dma_wait3A_79 = arith.constant 0 : i32
      %dma_wait3A_80 = tpu.memref_slice %arg15[%dma_wait3A_78, %dma_wait3A_79] : memref<10240x64xbf16, #tpu.memory_space<vmem_shared>> -> memref<10240x64xbf16, #tpu.memory_space<vmem_shared>>
      tpu.wait_indirect_dma semaphore(%arg11 : memref<!tpu.dma_semaphore, #tpu.memory_space<semaphore_mem>>) src(%dma_wait3A_80 : memref<10240x64xbf16, #tpu.memory_space<vmem_shared>>) dst(%arg9 : memref<128x64xbf16, #tpu.memory_space<vmem>>)
      %gt3A_81 = arith.constant 0 : i32
      %gt3A_82 = arith.cmpi sgt, %add3A_74, %gt3A_81 : i32
      %convert_element_type3A_83 = arith.extui %gt3A_82 : i1 to i32
      %cond3A_84 = arith.constant 0 : i32
      %cond3A_85 = arith.cmpi ne, %convert_element_type3A_83, %cond3A_84 : i32
      scf.if %cond3A_85 {
        %sub3A_98 = arith.constant 1 : i32
        %sub3A_99 = arith.subi %add3A_74, %sub3A_98 : i32
        %mul3A_100 = arith.constant 128 : i32
        %mul3A_101 = arith.muli %sub3A_99, %mul3A_100 : i32
        %dma_wait3A_102 = tpu.memref_slice %arg7[%mul3A_101] : memref<10240xi32, #tpu.memory_space<vmem>> -> memref<128xi32, #tpu.memory_space<vmem>>
        %dma_wait3A_103 = arith.constant 0 : i32
        %dma_wait3A_104 = arith.constant 0 : i32
        %dma_wait3A_105 = tpu.memref_slice %arg14[%dma_wait3A_103, %dma_wait3A_104] : memref<10240x64xbf16, #tpu.memory_space<vmem_shared>> -> memref<10240x64xbf16, #tpu.memory_space<vmem_shared>>
        tpu.wait_indirect_dma semaphore(%arg12 : memref<!tpu.dma_semaphore, #tpu.memory_space<semaphore_mem>>) src(%arg8 : memref<128x64xbf16, #tpu.memory_space<vmem>>) dst(%dma_wait3A_105 : memref<10240x64xbf16, #tpu.memory_space<vmem_shared>>)
      } else {
      }
      %mul3A_86 = arith.constant 128 : i32
      %mul3A_87 = arith.muli %add3A_74, %mul3A_86 : i32
      %dma_start3A_88 = tpu.memref_slice %arg7[%mul3A_87] : memref<10240xi32, #tpu.memory_space<vmem>> -> memref<128xi32, #tpu.memory_space<vmem>>
      %dma_start3A_89 = arith.constant 0 : i32
      %dma_start3A_90 = arith.constant 0 : i32
      %dma_start3A_91 = tpu.memref_slice %arg14[%dma_start3A_89, %dma_start3A_90] : memref<10240x64xbf16, #tpu.memory_space<vmem_shared>> -> memref<10240x64xbf16, #tpu.memory_space<vmem_shared>>
      tpu.enqueue_indirect_dma source(%arg9 : memref<128x64xbf16, #tpu.memory_space<vmem>>) target(%dma_start3A_91 : memref<10240x64xbf16, #tpu.memory_space<vmem_shared>>) offsets(%dma_start3A_88 : memref<128xi32, #tpu.memory_space<vmem>>) semaphore(%arg13 : memref<!tpu.dma_semaphore, #tpu.memory_space<semaphore_mem>>) {add = true}
      %add3A_92 = arith.constant 1 : i32
      %add3A_93 = arith.addi %add3A_74, %add3A_92 : i32
      %lt3A_94 = arith.cmpi slt, %add3A_93, %add3A_7 : i32
      %convert_element_type3A_95 = arith.extui %lt3A_94 : i1 to i32
      %cond3A_96 = arith.constant 0 : i32
      %cond3A_97 = arith.cmpi ne, %convert_element_type3A_95, %cond3A_96 : i32
      scf.if %cond3A_97 {
        %add3A_98 = arith.constant 1 : i32
        %add3A_99 = arith.addi %add3A_74, %add3A_98 : i32
        %mul3A_100 = arith.constant 128 : i32
        %mul3A_101 = arith.muli %add3A_99, %mul3A_100 : i32
        %dma_start3A_102 = tpu.memref_slice %arg6[%mul3A_101] : memref<10240xi32, #tpu.memory_space<vmem>> -> memref<128xi32, #tpu.memory_space<vmem>>
        %dma_start3A_103 = arith.constant 0 : i32
        %dma_start3A_104 = arith.constant 0 : i32
        %dma_start3A_105 = tpu.memref_slice %arg15[%dma_start3A_103, %dma_start3A_104] : memref<10240x64xbf16, #tpu.memory_space<vmem_shared>> -> memref<10240x64xbf16, #tpu.memory_space<vmem_shared>>
        tpu.enqueue_indirect_dma source(%dma_start3A_105 : memref<10240x64xbf16, #tpu.memory_space<vmem_shared>>) target(%arg8 : memref<128x64xbf16, #tpu.memory_space<vmem>>) offsets(%dma_start3A_102 : memref<128xi32, #tpu.memory_space<vmem>>) semaphore(%arg10 : memref<!tpu.dma_semaphore, #tpu.memory_space<semaphore_mem>>)
      } else {
      }
    }
    %while3A_39 = arith.constant 1 : i32
    scf.for %while3A_48 = %while3A_37 to %while3A_33 step %while3A_39  : i32 {
      %mul3A_49 = arith.muli %while3A_48, %while3A : i32
      %add3A_50 = arith.addi %while3A_30, %mul3A_49 : i32
      %add3A_51 = arith.constant 0 : i32
      %add3A_52 = arith.addi %add3A_50, %add3A_51 : i32
      %mul3A_53 = arith.constant 128 : i32
      %mul3A_54 = arith.muli %add3A_52, %mul3A_53 : i32
      %dma_wait3A_55 = tpu.memref_slice %arg6[%mul3A_54] : memref<10240xi32, #tpu.memory_space<vmem>> -> memref<128xi32, #tpu.memory_space<vmem>>
      %dma_wait3A_56 = arith.constant 0 : i32
      %dma_wait3A_57 = arith.constant 0 : i32
      %dma_wait3A_58 = tpu.memref_slice %arg15[%dma_wait3A_56, %dma_wait3A_57] : memref<10240x64xbf16, #tpu.memory_space<vmem_shared>> -> memref<10240x64xbf16, #tpu.memory_space<vmem_shared>>
      tpu.wait_indirect_dma semaphore(%arg10 : memref<!tpu.dma_semaphore, #tpu.memory_space<semaphore_mem>>) src(%dma_wait3A_58 : memref<10240x64xbf16, #tpu.memory_space<vmem_shared>>) dst(%arg8 : memref<128x64xbf16, #tpu.memory_space<vmem>>)
      %gt3A = arith.constant 0 : i32
      %gt3A_59 = arith.cmpi sgt, %add3A_52, %gt3A : i32
      %convert_element_type3A_60 = arith.extui %gt3A_59 : i1 to i32
      %cond3A = arith.constant 0 : i32
      %cond3A_61 = arith.cmpi ne, %convert_element_type3A_60, %cond3A : i32
      scf.if %cond3A_61 {
        %sub3A_98 = arith.constant 1 : i32
        %sub3A_99 = arith.subi %add3A_52, %sub3A_98 : i32
        %mul3A_100 = arith.constant 128 : i32
        %mul3A_101 = arith.muli %sub3A_99, %mul3A_100 : i32
        %dma_wait3A_102 = tpu.memref_slice %arg7[%mul3A_101] : memref<10240xi32, #tpu.memory_space<vmem>> -> memref<128xi32, #tpu.memory_space<vmem>>
        %dma_wait3A_103 = arith.constant 0 : i32
        %dma_wait3A_104 = arith.constant 0 : i32
        %dma_wait3A_105 = tpu.memref_slice %arg14[%dma_wait3A_103, %dma_wait3A_104] : memref<10240x64xbf16, #tpu.memory_space<vmem_shared>> -> memref<10240x64xbf16, #tpu.memory_space<vmem_shared>>
        tpu.wait_indirect_dma semaphore(%arg13 : memref<!tpu.dma_semaphore, #tpu.memory_space<semaphore_mem>>) src(%arg9 : memref<128x64xbf16, #tpu.memory_space<vmem>>) dst(%dma_wait3A_105 : memref<10240x64xbf16, #tpu.memory_space<vmem_shared>>)
      } else {
      }
      %mul3A_62 = arith.constant 128 : i32
      %mul3A_63 = arith.muli %add3A_52, %mul3A_62 : i32
      %dma_start3A_64 = tpu.memref_slice %arg7[%mul3A_63] : memref<10240xi32, #tpu.memory_space<vmem>> -> memref<128xi32, #tpu.memory_space<vmem>>
      %dma_start3A_65 = arith.constant 0 : i32
      %dma_start3A_66 = arith.constant 0 : i32
      %dma_start3A_67 = tpu.memref_slice %arg14[%dma_start3A_65, %dma_start3A_66] : memref<10240x64xbf16, #tpu.memory_space<vmem_shared>> -> memref<10240x64xbf16, #tpu.memory_space<vmem_shared>>
      tpu.enqueue_indirect_dma source(%arg8 : memref<128x64xbf16, #tpu.memory_space<vmem>>) target(%dma_start3A_67 : memref<10240x64xbf16, #tpu.memory_space<vmem_shared>>) offsets(%dma_start3A_64 : memref<128xi32, #tpu.memory_space<vmem>>) semaphore(%arg12 : memref<!tpu.dma_semaphore, #tpu.memory_space<semaphore_mem>>) {add = true}
      %add3A_68 = arith.constant 1 : i32
      %add3A_69 = arith.addi %add3A_52, %add3A_68 : i32
      %lt3A = arith.cmpi slt, %add3A_69, %add3A_7 : i32
      %convert_element_type3A_70 = arith.extui %lt3A : i1 to i32
      %cond3A_71 = arith.constant 0 : i32
      %cond3A_72 = arith.cmpi ne, %convert_element_type3A_70, %cond3A_71 : i32
      scf.if %cond3A_72 {
        %add3A_98 = arith.constant 1 : i32
        %add3A_99 = arith.addi %add3A_52, %add3A_98 : i32
        %mul3A_100 = arith.constant 128 : i32
        %mul3A_101 = arith.muli %add3A_99, %mul3A_100 : i32
        %dma_start3A_102 = tpu.memref_slice %arg6[%mul3A_101] : memref<10240xi32, #tpu.memory_space<vmem>> -> memref<128xi32, #tpu.memory_space<vmem>>
        %dma_start3A_103 = arith.constant 0 : i32
        %dma_start3A_104 = arith.constant 0 : i32
        %dma_start3A_105 = tpu.memref_slice %arg15[%dma_start3A_103, %dma_start3A_104] : memref<10240x64xbf16, #tpu.memory_space<vmem_shared>> -> memref<10240x64xbf16, #tpu.memory_space<vmem_shared>>
        tpu.enqueue_indirect_dma source(%dma_start3A_105 : memref<10240x64xbf16, #tpu.memory_space<vmem_shared>>) target(%arg9 : memref<128x64xbf16, #tpu.memory_space<vmem>>) offsets(%dma_start3A_102 : memref<128xi32, #tpu.memory_space<vmem>>) semaphore(%arg11 : memref<!tpu.dma_semaphore, #tpu.memory_space<semaphore_mem>>)
      } else {
      }
      %add3A_73 = arith.constant 1 : i32
      %add3A_74 = arith.addi %add3A_50, %add3A_73 : i32
      %mul3A_75 = arith.constant 128 : i32
      %mul3A_76 = arith.muli %add3A_74, %mul3A_75 : i32
      %dma_wait3A_77 = tpu.memref_slice %arg6[%mul3A_76] : memref<10240xi32, #tpu.memory_space<vmem>> -> memref<128xi32, #tpu.memory_space<vmem>>
      %dma_wait3A_78 = arith.constant 0 : i32
      %dma_wait3A_79 = arith.constant 0 : i32
      %dma_wait3A_80 = tpu.memref_slice %arg15[%dma_wait3A_78, %dma_wait3A_79] : memref<10240x64xbf16, #tpu.memory_space<vmem_shared>> -> memref<10240x64xbf16, #tpu.memory_space<vmem_shared>>
      tpu.wait_indirect_dma semaphore(%arg11 : memref<!tpu.dma_semaphore, #tpu.memory_space<semaphore_mem>>) src(%dma_wait3A_80 : memref<10240x64xbf16, #tpu.memory_space<vmem_shared>>) dst(%arg9 : memref<128x64xbf16, #tpu.memory_space<vmem>>)
      %gt3A_81 = arith.constant 0 : i32
      %gt3A_82 = arith.cmpi sgt, %add3A_74, %gt3A_81 : i32
      %convert_element_type3A_83 = arith.extui %gt3A_82 : i1 to i32
      %cond3A_84 = arith.constant 0 : i32
      %cond3A_85 = arith.cmpi ne, %convert_element_type3A_83, %cond3A_84 : i32
      scf.if %cond3A_85 {
        %sub3A_98 = arith.constant 1 : i32
        %sub3A_99 = arith.subi %add3A_74, %sub3A_98 : i32
        %mul3A_100 = arith.constant 128 : i32
        %mul3A_101 = arith.muli %sub3A_99, %mul3A_100 : i32
        %dma_wait3A_102 = tpu.memref_slice %arg7[%mul3A_101] : memref<10240xi32, #tpu.memory_space<vmem>> -> memref<128xi32, #tpu.memory_space<vmem>>
        %dma_wait3A_103 = arith.constant 0 : i32
        %dma_wait3A_104 = arith.constant 0 : i32
        %dma_wait3A_105 = tpu.memref_slice %arg14[%dma_wait3A_103, %dma_wait3A_104] : memref<10240x64xbf16, #tpu.memory_space<vmem_shared>> -> memref<10240x64xbf16, #tpu.memory_space<vmem_shared>>
        tpu.wait_indirect_dma semaphore(%arg12 : memref<!tpu.dma_semaphore, #tpu.memory_space<semaphore_mem>>) src(%arg8 : memref<128x64xbf16, #tpu.memory_space<vmem>>) dst(%dma_wait3A_105 : memref<10240x64xbf16, #tpu.memory_space<vmem_shared>>)
      } else {
      }
      %mul3A_86 = arith.constant 128 : i32
      %mul3A_87 = arith.muli %add3A_74, %mul3A_86 : i32
      %dma_start3A_88 = tpu.memref_slice %arg7[%mul3A_87] : memref<10240xi32, #tpu.memory_space<vmem>> -> memref<128xi32, #tpu.memory_space<vmem>>
      %dma_start3A_89 = arith.constant 0 : i32
      %dma_start3A_90 = arith.constant 0 : i32
      %dma_start3A_91 = tpu.memref_slice %arg14[%dma_start3A_89, %dma_start3A_90] : memref<10240x64xbf16, #tpu.memory_space<vmem_shared>> -> memref<10240x64xbf16, #tpu.memory_space<vmem_shared>>
      tpu.enqueue_indirect_dma source(%arg9 : memref<128x64xbf16, #tpu.memory_space<vmem>>) target(%dma_start3A_91 : memref<10240x64xbf16, #tpu.memory_space<vmem_shared>>) offsets(%dma_start3A_88 : memref<128xi32, #tpu.memory_space<vmem>>) semaphore(%arg13 : memref<!tpu.dma_semaphore, #tpu.memory_space<semaphore_mem>>) {add = true}
      %add3A_92 = arith.constant 1 : i32
      %add3A_93 = arith.addi %add3A_74, %add3A_92 : i32
      %lt3A_94 = arith.cmpi slt, %add3A_93, %add3A_7 : i32
      %convert_element_type3A_95 = arith.extui %lt3A_94 : i1 to i32
      %cond3A_96 = arith.constant 0 : i32
      %cond3A_97 = arith.cmpi ne, %convert_element_type3A_95, %cond3A_96 : i32
      scf.if %cond3A_97 {
        %add3A_98 = arith.constant 1 : i32
        %add3A_99 = arith.addi %add3A_74, %add3A_98 : i32
        %mul3A_100 = arith.constant 128 : i32
        %mul3A_101 = arith.muli %add3A_99, %mul3A_100 : i32
        %dma_start3A_102 = tpu.memref_slice %arg6[%mul3A_101] : memref<10240xi32, #tpu.memory_space<vmem>> -> memref<128xi32, #tpu.memory_space<vmem>>
        %dma_start3A_103 = arith.constant 0 : i32
        %dma_start3A_104 = arith.constant 0 : i32
        %dma_start3A_105 = tpu.memref_slice %arg15[%dma_start3A_103, %dma_start3A_104] : memref<10240x64xbf16, #tpu.memory_space<vmem_shared>> -> memref<10240x64xbf16, #tpu.memory_space<vmem_shared>>
        tpu.enqueue_indirect_dma source(%dma_start3A_105 : memref<10240x64xbf16, #tpu.memory_space<vmem_shared>>) target(%arg8 : memref<128x64xbf16, #tpu.memory_space<vmem>>) offsets(%dma_start3A_102 : memref<128xi32, #tpu.memory_space<vmem>>) semaphore(%arg10 : memref<!tpu.dma_semaphore, #tpu.memory_space<semaphore_mem>>)
      } else {
      }
    }
    %sub3A_40 = arith.constant 1 : i32
    %sub3A_41 = arith.subi %add3A_7, %sub3A_40 : i32
    %mul3A_42 = arith.constant 128 : i32
    %mul3A_43 = arith.muli %sub3A_41, %mul3A_42 : i32
    %dma_wait3A = tpu.memref_slice %arg7[%mul3A_43] : memref<10240xi32, #tpu.memory_space<vmem>> -> memref<128xi32, #tpu.memory_space<vmem>>
    %dma_wait3A_44 = arith.constant 0 : i32
    %dma_wait3A_45 = arith.constant 0 : i32
    %dma_wait3A_46 = tpu.memref_slice %arg14[%dma_wait3A_44, %dma_wait3A_45] : memref<10240x64xbf16, #tpu.memory_space<vmem_shared>> -> memref<10240x64xbf16, #tpu.memory_space<vmem_shared>>
    tpu.wait_indirect_dma semaphore(%arg13 : memref<!tpu.dma_semaphore, #tpu.memory_space<semaphore_mem>>) src(%arg9 : memref<128x64xbf16, #tpu.memory_space<vmem>>) dst(%dma_wait3A_46 : memref<10240x64xbf16, #tpu.memory_space<vmem_shared>>)
    %barrier3A_47 = arith.constant 0 : index
    tpu.barrier barrier_id(%barrier3A_47)
    "tpu.region"() ({
      %run_scoped3A = tpu.sem_alloc : memref<!tpu.dma_semaphore, #tpu.memory_space<semaphore_mem>>
      %dma_start3A_48 = arith.constant 0 : i32
      %dma_start3A_49 = tpu.memref_slice %arg5[%arg0, %mul3A_2, %dma_start3A_48] : memref<2x10240x64xbf16, #tpu.memory_space<hbm>> -> memref<1x640x64xbf16, #tpu.memory_space<hbm>>
      %dma_start3A_50 = tpu.memref_squeeze %dma_start3A_49 : memref<1x640x64xbf16, #tpu.memory_space<hbm>> -> memref<640x64xbf16, #tpu.memory_space<hbm>>
      %dma_start3A_51 = arith.constant 0 : i32
      %dma_start3A_52 = tpu.memref_slice %arg14[%mul3A_2, %dma_start3A_51] : memref<10240x64xbf16, #tpu.memory_space<vmem_shared>> -> memref<640x64xbf16, #tpu.memory_space<vmem_shared>>
      tpu.enqueue_dma source(%dma_start3A_52 : memref<640x64xbf16, #tpu.memory_space<vmem_shared>>) target(%dma_start3A_50 : memref<640x64xbf16, #tpu.memory_space<hbm>>) target_semaphore(%run_scoped3A : memref<!tpu.dma_semaphore, #tpu.memory_space<semaphore_mem>>)
      %dma_wait3A_53 = arith.constant 0 : i32
      %dma_wait3A_54 = tpu.memref_slice %arg5[%arg0, %mul3A_2, %dma_wait3A_53] : memref<2x10240x64xbf16, #tpu.memory_space<hbm>> -> memref<1x640x64xbf16, #tpu.memory_space<hbm>>
      %dma_wait3A_55 = tpu.memref_squeeze %dma_wait3A_54 : memref<1x640x64xbf16, #tpu.memory_space<hbm>> -> memref<640x64xbf16, #tpu.memory_space<hbm>>
      %dma_wait3A_56 = arith.constant 0 : i32
      %dma_wait3A_57 = tpu.memref_slice %arg14[%mul3A_2, %dma_wait3A_56] : memref<10240x64xbf16, #tpu.memory_space<vmem_shared>> -> memref<640x64xbf16, #tpu.memory_space<vmem_shared>>
      tpu.wait_dma2 semaphore(%run_scoped3A : memref<!tpu.dma_semaphore, #tpu.memory_space<semaphore_mem>>) src(%dma_wait3A_57 : memref<640x64xbf16, #tpu.memory_space<vmem_shared>>) dst(%dma_wait3A_55 : memref<640x64xbf16, #tpu.memory_space<hbm>>)
      tpu.yield
    }) : () -> ()
    return
  }
}

#map = affine_map<(d0, d1) -> (0, 0)>
#map1 = affine_map<(d0, d1) -> (0)>
#map2 = affine_map<(d0, d1) -> (0, 0, 0)>
module attributes {stable_mosaic.version = 14 : i64} {
  func.func @_hop_kernel(%arg0: i32, %arg1: i32, %arg2: memref<10240x64xbf16, #tpu.memory_space<hbm>>, %arg3: memref<320000xi32, #tpu.memory_space<hbm>>, %arg4: memref<320000xi32, #tpu.memory_space<hbm>>, %arg5: memref<2x10240x64xbf16, #tpu.memory_space<hbm>>, %arg6: memref<10240xi32, #tpu.memory_space<vmem>>, %arg7: memref<10240xi32, #tpu.memory_space<vmem>>, %arg8: memref<128x64xbf16, #tpu.memory_space<vmem>>, %arg9: memref<128x64xbf16, #tpu.memory_space<vmem>>, %arg10: memref<!tpu.dma_semaphore, #tpu.memory_space<semaphore_mem>>, %arg11: memref<!tpu.dma_semaphore, #tpu.memory_space<semaphore_mem>>, %arg12: memref<!tpu.dma_semaphore, #tpu.memory_space<semaphore_mem>>, %arg13: memref<!tpu.dma_semaphore, #tpu.memory_space<semaphore_mem>>, %arg14: memref<10240x64xbf16, #tpu.memory_space<vmem_shared>>, %arg15: memref<10240x64xbf16, #tpu.memory_space<vmem_shared>>) attributes {dimension_semantics = [#tpu.dimension_semantics<core_parallel>, #tpu.dimension_semantics<subcore_parallel>], iteration_bounds = array<i64: 2, 16>, scalar_prefetch = 0 : i64, scratch_operands = 10 : i64, tpu.core_type = #tpu.core_type<sc_vector_subcore>, window_params = [{transform_indices = #map}, {transform_indices = #map1}, {transform_indices = #map1}, {transform_indices = #map2}]} {
    %mul3A = arith.constant 16 : i32
    %mul3A_0 = arith.muli %arg0, %mul3A : i32
    %add3A = arith.addi %mul3A_0, %arg1 : i32
    %mul3A_1 = arith.constant 640 : i32
    %mul3A_2 = arith.muli %arg1, %mul3A_1 : i32
    %ge3A = arith.constant 30 : i32
    %ge3A_3 = arith.cmpi sge, %add3A, %ge3A : i32
    %convert_element_type3A = arith.extui %ge3A_3 : i1 to i32
    %mul3A_4 = arith.constant 2 : i32
    %mul3A_5 = arith.muli %mul3A_4, %convert_element_type3A : i32
    %add3A_6 = arith.constant 78 : i32
    %add3A_7 = arith.addi %add3A_6, %mul3A_5 : i32
    %mul3A_8 = arith.constant 78 : i32
    %mul3A_9 = arith.muli %mul3A_8, %add3A : i32
    %sub3A = arith.constant 30 : i32
    %sub3A_10 = arith.subi %add3A, %sub3A : i32
    %max3A = arith.constant 0 : i32
    %max3A_11 = arith.maxsi %max3A, %sub3A_10 : i32
    %mul3A_12 = arith.constant 2 : i32
    %mul3A_13 = arith.muli %mul3A_12, %max3A_11 : i32
    %add3A_14 = arith.addi %mul3A_9, %mul3A_13 : i32
    "tpu.region"() ({
      %run_scoped3A = tpu.sem_alloc : memref<!tpu.dma_semaphore, #tpu.memory_space<semaphore_mem>>
      %dma_start3A_48 = arith.constant 0 : i32
      %dma_start3A_49 = tpu.memref_slice %arg14[%mul3A_2, %dma_start3A_48] : memref<10240x64xbf16, #tpu.memory_space<vmem_shared>> -> memref<640x64xbf16, #tpu.memory_space<vmem_shared>>
      %dma_start3A_50 = arith.constant 0 : i32
      %dma_start3A_51 = tpu.memref_slice %arg2[%mul3A_2, %dma_start3A_50] : memref<10240x64xbf16, #tpu.memory_space<hbm>> -> memref<640x64xbf16, #tpu.memory_space<hbm>>
      tpu.enqueue_dma source(%dma_start3A_51 : memref<640x64xbf16, #tpu.memory_space<hbm>>) target(%dma_start3A_49 : memref<640x64xbf16, #tpu.memory_space<vmem_shared>>) target_semaphore(%run_scoped3A : memref<!tpu.dma_semaphore, #tpu.memory_space<semaphore_mem>>)
      %dma_wait3A_52 = arith.constant 0 : i32
      %dma_wait3A_53 = tpu.memref_slice %arg14[%mul3A_2, %dma_wait3A_52] : memref<10240x64xbf16, #tpu.memory_space<vmem_shared>> -> memref<640x64xbf16, #tpu.memory_space<vmem_shared>>
      %dma_wait3A_54 = arith.constant 0 : i32
      %dma_wait3A_55 = tpu.memref_slice %arg2[%mul3A_2, %dma_wait3A_54] : memref<10240x64xbf16, #tpu.memory_space<hbm>> -> memref<640x64xbf16, #tpu.memory_space<hbm>>
      tpu.wait_dma2 semaphore(%run_scoped3A : memref<!tpu.dma_semaphore, #tpu.memory_space<semaphore_mem>>) src(%dma_wait3A_55 : memref<640x64xbf16, #tpu.memory_space<hbm>>) dst(%dma_wait3A_53 : memref<640x64xbf16, #tpu.memory_space<vmem_shared>>)
      tpu.yield
    }) : () -> ()
    "tpu.region"() ({
      %run_scoped3A = tpu.sem_alloc : memref<!tpu.dma_semaphore, #tpu.memory_space<semaphore_mem>>
      %dma_start3A_48 = arith.constant 0 : i32
      %dma_start3A_49 = tpu.memref_slice %arg15[%mul3A_2, %dma_start3A_48] : memref<10240x64xbf16, #tpu.memory_space<vmem_shared>> -> memref<640x64xbf16, #tpu.memory_space<vmem_shared>>
      %dma_start3A_50 = arith.constant 0 : i32
      %dma_start3A_51 = tpu.memref_slice %arg2[%mul3A_2, %dma_start3A_50] : memref<10240x64xbf16, #tpu.memory_space<hbm>> -> memref<640x64xbf16, #tpu.memory_space<hbm>>
      tpu.enqueue_dma source(%dma_start3A_51 : memref<640x64xbf16, #tpu.memory_space<hbm>>) target(%dma_start3A_49 : memref<640x64xbf16, #tpu.memory_space<vmem_shared>>) target_semaphore(%run_scoped3A : memref<!tpu.dma_semaphore, #tpu.memory_space<semaphore_mem>>)
      %dma_wait3A_52 = arith.constant 0 : i32
      %dma_wait3A_53 = tpu.memref_slice %arg15[%mul3A_2, %dma_wait3A_52] : memref<10240x64xbf16, #tpu.memory_space<vmem_shared>> -> memref<640x64xbf16, #tpu.memory_space<vmem_shared>>
      %dma_wait3A_54 = arith.constant 0 : i32
      %dma_wait3A_55 = tpu.memref_slice %arg2[%mul3A_2, %dma_wait3A_54] : memref<10240x64xbf16, #tpu.memory_space<hbm>> -> memref<640x64xbf16, #tpu.memory_space<hbm>>
      tpu.wait_dma2 semaphore(%run_scoped3A : memref<!tpu.dma_semaphore, #tpu.memory_space<semaphore_mem>>) src(%dma_wait3A_55 : memref<640x64xbf16, #tpu.memory_space<hbm>>) dst(%dma_wait3A_53 : memref<640x64xbf16, #tpu.memory_space<vmem_shared>>)
      tpu.yield
    }) : () -> ()
    %mul3A_15 = arith.constant 128 : i32
    %mul3A_16 = arith.muli %add3A_14, %mul3A_15 : i32
    "tpu.region"() ({
      %run_scoped3A = tpu.sem_alloc : memref<!tpu.dma_semaphore, #tpu.memory_space<semaphore_mem>>
      %dma_start3A_48 = tpu.memref_slice %arg3[%mul3A_16] : memref<320000xi32, #tpu.memory_space<hbm>> -> memref<10240xi32, #tpu.memory_space<hbm>>
      %dma_start3A_49 = tpu.memref_slice %arg3[%mul3A_16] : memref<320000xi32, #tpu.memory_space<hbm>> -> memref<10240xi32, #tpu.memory_space<hbm>>
      tpu.enqueue_dma source(%dma_start3A_49 : memref<10240xi32, #tpu.memory_space<hbm>>) target(%arg6 : memref<10240xi32, #tpu.memory_space<vmem>>) target_semaphore(%run_scoped3A : memref<!tpu.dma_semaphore, #tpu.memory_space<semaphore_mem>>)
      %dma_wait3A_50 = tpu.memref_slice %arg3[%mul3A_16] : memref<320000xi32, #tpu.memory_space<hbm>> -> memref<10240xi32, #tpu.memory_space<hbm>>
      %dma_wait3A_51 = tpu.memref_slice %arg3[%mul3A_16] : memref<320000xi32, #tpu.memory_space<hbm>> -> memref<10240xi32, #tpu.memory_space<hbm>>
      tpu.wait_dma2 semaphore(%run_scoped3A : memref<!tpu.dma_semaphore, #tpu.memory_space<semaphore_mem>>) src(%dma_wait3A_51 : memref<10240xi32, #tpu.memory_space<hbm>>) dst(%arg6 : memref<10240xi32, #tpu.memory_space<vmem>>)
      tpu.yield
    }) : () -> ()
    %mul3A_17 = arith.constant 128 : i32
    %mul3A_18 = arith.muli %add3A_14, %mul3A_17 : i32
    "tpu.region"() ({
      %run_scoped3A = tpu.sem_alloc : memref<!tpu.dma_semaphore, #tpu.memory_space<semaphore_mem>>
      %dma_start3A_48 = tpu.memref_slice %arg4[%mul3A_18] : memref<320000xi32, #tpu.memory_space<hbm>> -> memref<10240xi32, #tpu.memory_space<hbm>>
      %dma_start3A_49 = tpu.memref_slice %arg4[%mul3A_18] : memref<320000xi32, #tpu.memory_space<hbm>> -> memref<10240xi32, #tpu.memory_space<hbm>>
      tpu.enqueue_dma source(%dma_start3A_49 : memref<10240xi32, #tpu.memory_space<hbm>>) target(%arg7 : memref<10240xi32, #tpu.memory_space<vmem>>) target_semaphore(%run_scoped3A : memref<!tpu.dma_semaphore, #tpu.memory_space<semaphore_mem>>)
      %dma_wait3A_50 = tpu.memref_slice %arg4[%mul3A_18] : memref<320000xi32, #tpu.memory_space<hbm>> -> memref<10240xi32, #tpu.memory_space<hbm>>
      %dma_wait3A_51 = tpu.memref_slice %arg4[%mul3A_18] : memref<320000xi32, #tpu.memory_space<hbm>> -> memref<10240xi32, #tpu.memory_space<hbm>>
      tpu.wait_dma2 semaphore(%run_scoped3A : memref<!tpu.dma_semaphore, #tpu.memory_space<semaphore_mem>>) src(%dma_wait3A_51 : memref<10240xi32, #tpu.memory_space<hbm>>) dst(%arg7 : memref<10240xi32, #tpu.memory_space<vmem>>)
      tpu.yield
    }) : () -> ()
    %barrier3A = arith.constant 0 : index
    tpu.barrier barrier_id(%barrier3A)
    %dma_start3A = arith.constant 0 : i32
    %dma_start3A_19 = tpu.memref_slice %arg6[%dma_start3A] : memref<10240xi32, #tpu.memory_space<vmem>> -> memref<128xi32, #tpu.memory_space<vmem>>
    %dma_start3A_20 = arith.constant 0 : i32
    %dma_start3A_21 = arith.constant 0 : i32
    %dma_start3A_22 = tpu.memref_slice %arg15[%dma_start3A_20, %dma_start3A_21] : memref<10240x64xbf16, #tpu.memory_space<vmem_shared>> -> memref<10240x64xbf16, #tpu.memory_space<vmem_shared>>
    tpu.enqueue_indirect_dma source(%dma_start3A_22 : memref<10240x64xbf16, #tpu.memory_space<vmem_shared>>) target(%arg8 : memref<128x64xbf16, #tpu.memory_space<vmem>>) offsets(%dma_start3A_19 : memref<128xi32, #tpu.memory_space<vmem>>) semaphore(%arg10 : memref<!tpu.dma_semaphore, #tpu.memory_space<semaphore_mem>>)
    %sub3A_23 = arith.constant 0 : i32
    %sub3A_24 = arith.subi %add3A_7, %sub3A_23 : i32
    %sub3A_25 = arith.constant 2 : i32
    %sub3A_26 = arith.constant 1 : i32
    %sub3A_27 = arith.subi %sub3A_25, %sub3A_26 : i32
    %add3A_28 = arith.addi %sub3A_24, %sub3A_27 : i32
    %div3A = arith.constant 2 : i32
    %div3A_29 = arith.divsi %add3A_28, %div3A : i32
    %while3A = arith.constant 2 : i32
    %while3A_30 = arith.constant 0 : i32
    %while3A_31 = arith.constant 0 : i32
    %while3A_32 = arith.subi %div3A_29, %while3A_31 : i32
    %while3A_33 = arith.addi %while3A_31, %while3A_32 : i32
    %while3A_34 = arith.constant 1 : i32
    %while3A_35 = arith.divsi %while3A_32, %while3A_34 : i32
    %while3A_36 = arith.muli %while3A_35, %while3A_34 : i32
    %while3A_37 = arith.addi %while3A_31, %while3A_36 : i32
    %while3A_38 = arith.constant 1 : i32
    scf.for %while3A_48 = %while3A_31 to %while3A_37 step %while3A_38  : i32 {
      %mul3A_49 = arith.muli %while3A_48, %while3A : i32
      %add3A_50 = arith.addi %while3A_30, %mul3A_49 : i32
      %add3A_51 = arith.constant 0 : i32
      %add3A_52 = arith.addi %add3A_50, %add3A_51 : i32
      %mul3A_53 = arith.constant 128 : i32
      %mul3A_54 = arith.muli %add3A_52, %mul3A_53 : i32
      %dma_wait3A_55 = tpu.memref_slice %arg6[%mul3A_54] : memref<10240xi32, #tpu.memory_space<vmem>> -> memref<128xi32, #tpu.memory_space<vmem>>
      %dma_wait3A_56 = arith.constant 0 : i32
      %dma_wait3A_57 = arith.constant 0 : i32
      %dma_wait3A_58 = tpu.memref_slice %arg15[%dma_wait3A_56, %dma_wait3A_57] : memref<10240x64xbf16, #tpu.memory_space<vmem_shared>> -> memref<10240x64xbf16, #tpu.memory_space<vmem_shared>>
      tpu.wait_indirect_dma semaphore(%arg10 : memref<!tpu.dma_semaphore, #tpu.memory_space<semaphore_mem>>) src(%dma_wait3A_58 : memref<10240x64xbf16, #tpu.memory_space<vmem_shared>>) dst(%arg8 : memref<128x64xbf16, #tpu.memory_space<vmem>>)
      %gt3A = arith.constant 0 : i32
      %gt3A_59 = arith.cmpi sgt, %add3A_52, %gt3A : i32
      %convert_element_type3A_60 = arith.extui %gt3A_59 : i1 to i32
      %cond3A = arith.constant 0 : i32
      %cond3A_61 = arith.cmpi ne, %convert_element_type3A_60, %cond3A : i32
      scf.if %cond3A_61 {
        %sub3A_98 = arith.constant 1 : i32
        %sub3A_99 = arith.subi %add3A_52, %sub3A_98 : i32
        %mul3A_100 = arith.constant 128 : i32
        %mul3A_101 = arith.muli %sub3A_99, %mul3A_100 : i32
        %dma_wait3A_102 = tpu.memref_slice %arg7[%mul3A_101] : memref<10240xi32, #tpu.memory_space<vmem>> -> memref<128xi32, #tpu.memory_space<vmem>>
        %dma_wait3A_103 = arith.constant 0 : i32
        %dma_wait3A_104 = arith.constant 0 : i32
        %dma_wait3A_105 = tpu.memref_slice %arg14[%dma_wait3A_103, %dma_wait3A_104] : memref<10240x64xbf16, #tpu.memory_space<vmem_shared>> -> memref<10240x64xbf16, #tpu.memory_space<vmem_shared>>
        tpu.wait_indirect_dma semaphore(%arg13 : memref<!tpu.dma_semaphore, #tpu.memory_space<semaphore_mem>>) src(%arg9 : memref<128x64xbf16, #tpu.memory_space<vmem>>) dst(%dma_wait3A_105 : memref<10240x64xbf16, #tpu.memory_space<vmem_shared>>)
      } else {
      }
      %mul3A_62 = arith.constant 128 : i32
      %mul3A_63 = arith.muli %add3A_52, %mul3A_62 : i32
      %dma_start3A_64 = tpu.memref_slice %arg7[%mul3A_63] : memref<10240xi32, #tpu.memory_space<vmem>> -> memref<128xi32, #tpu.memory_space<vmem>>
      %dma_start3A_65 = arith.constant 0 : i32
      %dma_start3A_66 = arith.constant 0 : i32
      %dma_start3A_67 = tpu.memref_slice %arg14[%dma_start3A_65, %dma_start3A_66] : memref<10240x64xbf16, #tpu.memory_space<vmem_shared>> -> memref<10240x64xbf16, #tpu.memory_space<vmem_shared>>
      tpu.enqueue_indirect_dma source(%arg8 : memref<128x64xbf16, #tpu.memory_space<vmem>>) target(%dma_start3A_67 : memref<10240x64xbf16, #tpu.memory_space<vmem_shared>>) offsets(%dma_start3A_64 : memref<128xi32, #tpu.memory_space<vmem>>) semaphore(%arg12 : memref<!tpu.dma_semaphore, #tpu.memory_space<semaphore_mem>>) {add = true}
      %add3A_68 = arith.constant 1 : i32
      %add3A_69 = arith.addi %add3A_52, %add3A_68 : i32
      %lt3A = arith.cmpi slt, %add3A_69, %add3A_7 : i32
      %convert_element_type3A_70 = arith.extui %lt3A : i1 to i32
      %cond3A_71 = arith.constant 0 : i32
      %cond3A_72 = arith.cmpi ne, %convert_element_type3A_70, %cond3A_71 : i32
      scf.if %cond3A_72 {
        %add3A_98 = arith.constant 1 : i32
        %add3A_99 = arith.addi %add3A_52, %add3A_98 : i32
        %mul3A_100 = arith.constant 128 : i32
        %mul3A_101 = arith.muli %add3A_99, %mul3A_100 : i32
        %dma_start3A_102 = tpu.memref_slice %arg6[%mul3A_101] : memref<10240xi32, #tpu.memory_space<vmem>> -> memref<128xi32, #tpu.memory_space<vmem>>
        %dma_start3A_103 = arith.constant 0 : i32
        %dma_start3A_104 = arith.constant 0 : i32
        %dma_start3A_105 = tpu.memref_slice %arg15[%dma_start3A_103, %dma_start3A_104] : memref<10240x64xbf16, #tpu.memory_space<vmem_shared>> -> memref<10240x64xbf16, #tpu.memory_space<vmem_shared>>
        tpu.enqueue_indirect_dma source(%dma_start3A_105 : memref<10240x64xbf16, #tpu.memory_space<vmem_shared>>) target(%arg9 : memref<128x64xbf16, #tpu.memory_space<vmem>>) offsets(%dma_start3A_102 : memref<128xi32, #tpu.memory_space<vmem>>) semaphore(%arg11 : memref<!tpu.dma_semaphore, #tpu.memory_space<semaphore_mem>>)
      } else {
      }
      %add3A_73 = arith.constant 1 : i32
      %add3A_74 = arith.addi %add3A_50, %add3A_73 : i32
      %mul3A_75 = arith.constant 128 : i32
      %mul3A_76 = arith.muli %add3A_74, %mul3A_75 : i32
      %dma_wait3A_77 = tpu.memref_slice %arg6[%mul3A_76] : memref<10240xi32, #tpu.memory_space<vmem>> -> memref<128xi32, #tpu.memory_space<vmem>>
      %dma_wait3A_78 = arith.constant 0 : i32
      %dma_wait3A_79 = arith.constant 0 : i32
      %dma_wait3A_80 = tpu.memref_slice %arg15[%dma_wait3A_78, %dma_wait3A_79] : memref<10240x64xbf16, #tpu.memory_space<vmem_shared>> -> memref<10240x64xbf16, #tpu.memory_space<vmem_shared>>
      tpu.wait_indirect_dma semaphore(%arg11 : memref<!tpu.dma_semaphore, #tpu.memory_space<semaphore_mem>>) src(%dma_wait3A_80 : memref<10240x64xbf16, #tpu.memory_space<vmem_shared>>) dst(%arg9 : memref<128x64xbf16, #tpu.memory_space<vmem>>)
      %gt3A_81 = arith.constant 0 : i32
      %gt3A_82 = arith.cmpi sgt, %add3A_74, %gt3A_81 : i32
      %convert_element_type3A_83 = arith.extui %gt3A_82 : i1 to i32
      %cond3A_84 = arith.constant 0 : i32
      %cond3A_85 = arith.cmpi ne, %convert_element_type3A_83, %cond3A_84 : i32
      scf.if %cond3A_85 {
        %sub3A_98 = arith.constant 1 : i32
        %sub3A_99 = arith.subi %add3A_74, %sub3A_98 : i32
        %mul3A_100 = arith.constant 128 : i32
        %mul3A_101 = arith.muli %sub3A_99, %mul3A_100 : i32
        %dma_wait3A_102 = tpu.memref_slice %arg7[%mul3A_101] : memref<10240xi32, #tpu.memory_space<vmem>> -> memref<128xi32, #tpu.memory_space<vmem>>
        %dma_wait3A_103 = arith.constant 0 : i32
        %dma_wait3A_104 = arith.constant 0 : i32
        %dma_wait3A_105 = tpu.memref_slice %arg14[%dma_wait3A_103, %dma_wait3A_104] : memref<10240x64xbf16, #tpu.memory_space<vmem_shared>> -> memref<10240x64xbf16, #tpu.memory_space<vmem_shared>>
        tpu.wait_indirect_dma semaphore(%arg12 : memref<!tpu.dma_semaphore, #tpu.memory_space<semaphore_mem>>) src(%arg8 : memref<128x64xbf16, #tpu.memory_space<vmem>>) dst(%dma_wait3A_105 : memref<10240x64xbf16, #tpu.memory_space<vmem_shared>>)
      } else {
      }
      %mul3A_86 = arith.constant 128 : i32
      %mul3A_87 = arith.muli %add3A_74, %mul3A_86 : i32
      %dma_start3A_88 = tpu.memref_slice %arg7[%mul3A_87] : memref<10240xi32, #tpu.memory_space<vmem>> -> memref<128xi32, #tpu.memory_space<vmem>>
      %dma_start3A_89 = arith.constant 0 : i32
      %dma_start3A_90 = arith.constant 0 : i32
      %dma_start3A_91 = tpu.memref_slice %arg14[%dma_start3A_89, %dma_start3A_90] : memref<10240x64xbf16, #tpu.memory_space<vmem_shared>> -> memref<10240x64xbf16, #tpu.memory_space<vmem_shared>>
      tpu.enqueue_indirect_dma source(%arg9 : memref<128x64xbf16, #tpu.memory_space<vmem>>) target(%dma_start3A_91 : memref<10240x64xbf16, #tpu.memory_space<vmem_shared>>) offsets(%dma_start3A_88 : memref<128xi32, #tpu.memory_space<vmem>>) semaphore(%arg13 : memref<!tpu.dma_semaphore, #tpu.memory_space<semaphore_mem>>) {add = true}
      %add3A_92 = arith.constant 1 : i32
      %add3A_93 = arith.addi %add3A_74, %add3A_92 : i32
      %lt3A_94 = arith.cmpi slt, %add3A_93, %add3A_7 : i32
      %convert_element_type3A_95 = arith.extui %lt3A_94 : i1 to i32
      %cond3A_96 = arith.constant 0 : i32
      %cond3A_97 = arith.cmpi ne, %convert_element_type3A_95, %cond3A_96 : i32
      scf.if %cond3A_97 {
        %add3A_98 = arith.constant 1 : i32
        %add3A_99 = arith.addi %add3A_74, %add3A_98 : i32
        %mul3A_100 = arith.constant 128 : i32
        %mul3A_101 = arith.muli %add3A_99, %mul3A_100 : i32
        %dma_start3A_102 = tpu.memref_slice %arg6[%mul3A_101] : memref<10240xi32, #tpu.memory_space<vmem>> -> memref<128xi32, #tpu.memory_space<vmem>>
        %dma_start3A_103 = arith.constant 0 : i32
        %dma_start3A_104 = arith.constant 0 : i32
        %dma_start3A_105 = tpu.memref_slice %arg15[%dma_start3A_103, %dma_start3A_104] : memref<10240x64xbf16, #tpu.memory_space<vmem_shared>> -> memref<10240x64xbf16, #tpu.memory_space<vmem_shared>>
        tpu.enqueue_indirect_dma source(%dma_start3A_105 : memref<10240x64xbf16, #tpu.memory_space<vmem_shared>>) target(%arg8 : memref<128x64xbf16, #tpu.memory_space<vmem>>) offsets(%dma_start3A_102 : memref<128xi32, #tpu.memory_space<vmem>>) semaphore(%arg10 : memref<!tpu.dma_semaphore, #tpu.memory_space<semaphore_mem>>)
      } else {
      }
    }
    %while3A_39 = arith.constant 1 : i32
    scf.for %while3A_48 = %while3A_37 to %while3A_33 step %while3A_39  : i32 {
      %mul3A_49 = arith.muli %while3A_48, %while3A : i32
      %add3A_50 = arith.addi %while3A_30, %mul3A_49 : i32
      %add3A_51 = arith.constant 0 : i32
      %add3A_52 = arith.addi %add3A_50, %add3A_51 : i32
      %mul3A_53 = arith.constant 128 : i32
      %mul3A_54 = arith.muli %add3A_52, %mul3A_53 : i32
      %dma_wait3A_55 = tpu.memref_slice %arg6[%mul3A_54] : memref<10240xi32, #tpu.memory_space<vmem>> -> memref<128xi32, #tpu.memory_space<vmem>>
      %dma_wait3A_56 = arith.constant 0 : i32
      %dma_wait3A_57 = arith.constant 0 : i32
      %dma_wait3A_58 = tpu.memref_slice %arg15[%dma_wait3A_56, %dma_wait3A_57] : memref<10240x64xbf16, #tpu.memory_space<vmem_shared>> -> memref<10240x64xbf16, #tpu.memory_space<vmem_shared>>
      tpu.wait_indirect_dma semaphore(%arg10 : memref<!tpu.dma_semaphore, #tpu.memory_space<semaphore_mem>>) src(%dma_wait3A_58 : memref<10240x64xbf16, #tpu.memory_space<vmem_shared>>) dst(%arg8 : memref<128x64xbf16, #tpu.memory_space<vmem>>)
      %gt3A = arith.constant 0 : i32
      %gt3A_59 = arith.cmpi sgt, %add3A_52, %gt3A : i32
      %convert_element_type3A_60 = arith.extui %gt3A_59 : i1 to i32
      %cond3A = arith.constant 0 : i32
      %cond3A_61 = arith.cmpi ne, %convert_element_type3A_60, %cond3A : i32
      scf.if %cond3A_61 {
        %sub3A_98 = arith.constant 1 : i32
        %sub3A_99 = arith.subi %add3A_52, %sub3A_98 : i32
        %mul3A_100 = arith.constant 128 : i32
        %mul3A_101 = arith.muli %sub3A_99, %mul3A_100 : i32
        %dma_wait3A_102 = tpu.memref_slice %arg7[%mul3A_101] : memref<10240xi32, #tpu.memory_space<vmem>> -> memref<128xi32, #tpu.memory_space<vmem>>
        %dma_wait3A_103 = arith.constant 0 : i32
        %dma_wait3A_104 = arith.constant 0 : i32
        %dma_wait3A_105 = tpu.memref_slice %arg14[%dma_wait3A_103, %dma_wait3A_104] : memref<10240x64xbf16, #tpu.memory_space<vmem_shared>> -> memref<10240x64xbf16, #tpu.memory_space<vmem_shared>>
        tpu.wait_indirect_dma semaphore(%arg13 : memref<!tpu.dma_semaphore, #tpu.memory_space<semaphore_mem>>) src(%arg9 : memref<128x64xbf16, #tpu.memory_space<vmem>>) dst(%dma_wait3A_105 : memref<10240x64xbf16, #tpu.memory_space<vmem_shared>>)
      } else {
      }
      %mul3A_62 = arith.constant 128 : i32
      %mul3A_63 = arith.muli %add3A_52, %mul3A_62 : i32
      %dma_start3A_64 = tpu.memref_slice %arg7[%mul3A_63] : memref<10240xi32, #tpu.memory_space<vmem>> -> memref<128xi32, #tpu.memory_space<vmem>>
      %dma_start3A_65 = arith.constant 0 : i32
      %dma_start3A_66 = arith.constant 0 : i32
      %dma_start3A_67 = tpu.memref_slice %arg14[%dma_start3A_65, %dma_start3A_66] : memref<10240x64xbf16, #tpu.memory_space<vmem_shared>> -> memref<10240x64xbf16, #tpu.memory_space<vmem_shared>>
      tpu.enqueue_indirect_dma source(%arg8 : memref<128x64xbf16, #tpu.memory_space<vmem>>) target(%dma_start3A_67 : memref<10240x64xbf16, #tpu.memory_space<vmem_shared>>) offsets(%dma_start3A_64 : memref<128xi32, #tpu.memory_space<vmem>>) semaphore(%arg12 : memref<!tpu.dma_semaphore, #tpu.memory_space<semaphore_mem>>) {add = true}
      %add3A_68 = arith.constant 1 : i32
      %add3A_69 = arith.addi %add3A_52, %add3A_68 : i32
      %lt3A = arith.cmpi slt, %add3A_69, %add3A_7 : i32
      %convert_element_type3A_70 = arith.extui %lt3A : i1 to i32
      %cond3A_71 = arith.constant 0 : i32
      %cond3A_72 = arith.cmpi ne, %convert_element_type3A_70, %cond3A_71 : i32
      scf.if %cond3A_72 {
        %add3A_98 = arith.constant 1 : i32
        %add3A_99 = arith.addi %add3A_52, %add3A_98 : i32
        %mul3A_100 = arith.constant 128 : i32
        %mul3A_101 = arith.muli %add3A_99, %mul3A_100 : i32
        %dma_start3A_102 = tpu.memref_slice %arg6[%mul3A_101] : memref<10240xi32, #tpu.memory_space<vmem>> -> memref<128xi32, #tpu.memory_space<vmem>>
        %dma_start3A_103 = arith.constant 0 : i32
        %dma_start3A_104 = arith.constant 0 : i32
        %dma_start3A_105 = tpu.memref_slice %arg15[%dma_start3A_103, %dma_start3A_104] : memref<10240x64xbf16, #tpu.memory_space<vmem_shared>> -> memref<10240x64xbf16, #tpu.memory_space<vmem_shared>>
        tpu.enqueue_indirect_dma source(%dma_start3A_105 : memref<10240x64xbf16, #tpu.memory_space<vmem_shared>>) target(%arg9 : memref<128x64xbf16, #tpu.memory_space<vmem>>) offsets(%dma_start3A_102 : memref<128xi32, #tpu.memory_space<vmem>>) semaphore(%arg11 : memref<!tpu.dma_semaphore, #tpu.memory_space<semaphore_mem>>)
      } else {
      }
      %add3A_73 = arith.constant 1 : i32
      %add3A_74 = arith.addi %add3A_50, %add3A_73 : i32
      %mul3A_75 = arith.constant 128 : i32
      %mul3A_76 = arith.muli %add3A_74, %mul3A_75 : i32
      %dma_wait3A_77 = tpu.memref_slice %arg6[%mul3A_76] : memref<10240xi32, #tpu.memory_space<vmem>> -> memref<128xi32, #tpu.memory_space<vmem>>
      %dma_wait3A_78 = arith.constant 0 : i32
      %dma_wait3A_79 = arith.constant 0 : i32
      %dma_wait3A_80 = tpu.memref_slice %arg15[%dma_wait3A_78, %dma_wait3A_79] : memref<10240x64xbf16, #tpu.memory_space<vmem_shared>> -> memref<10240x64xbf16, #tpu.memory_space<vmem_shared>>
      tpu.wait_indirect_dma semaphore(%arg11 : memref<!tpu.dma_semaphore, #tpu.memory_space<semaphore_mem>>) src(%dma_wait3A_80 : memref<10240x64xbf16, #tpu.memory_space<vmem_shared>>) dst(%arg9 : memref<128x64xbf16, #tpu.memory_space<vmem>>)
      %gt3A_81 = arith.constant 0 : i32
      %gt3A_82 = arith.cmpi sgt, %add3A_74, %gt3A_81 : i32
      %convert_element_type3A_83 = arith.extui %gt3A_82 : i1 to i32
      %cond3A_84 = arith.constant 0 : i32
      %cond3A_85 = arith.cmpi ne, %convert_element_type3A_83, %cond3A_84 : i32
      scf.if %cond3A_85 {
        %sub3A_98 = arith.constant 1 : i32
        %sub3A_99 = arith.subi %add3A_74, %sub3A_98 : i32
        %mul3A_100 = arith.constant 128 : i32
        %mul3A_101 = arith.muli %sub3A_99, %mul3A_100 : i32
        %dma_wait3A_102 = tpu.memref_slice %arg7[%mul3A_101] : memref<10240xi32, #tpu.memory_space<vmem>> -> memref<128xi32, #tpu.memory_space<vmem>>
        %dma_wait3A_103 = arith.constant 0 : i32
        %dma_wait3A_104 = arith.constant 0 : i32
        %dma_wait3A_105 = tpu.memref_slice %arg14[%dma_wait3A_103, %dma_wait3A_104] : memref<10240x64xbf16, #tpu.memory_space<vmem_shared>> -> memref<10240x64xbf16, #tpu.memory_space<vmem_shared>>
        tpu.wait_indirect_dma semaphore(%arg12 : memref<!tpu.dma_semaphore, #tpu.memory_space<semaphore_mem>>) src(%arg8 : memref<128x64xbf16, #tpu.memory_space<vmem>>) dst(%dma_wait3A_105 : memref<10240x64xbf16, #tpu.memory_space<vmem_shared>>)
      } else {
      }
      %mul3A_86 = arith.constant 128 : i32
      %mul3A_87 = arith.muli %add3A_74, %mul3A_86 : i32
      %dma_start3A_88 = tpu.memref_slice %arg7[%mul3A_87] : memref<10240xi32, #tpu.memory_space<vmem>> -> memref<128xi32, #tpu.memory_space<vmem>>
      %dma_start3A_89 = arith.constant 0 : i32
      %dma_start3A_90 = arith.constant 0 : i32
      %dma_start3A_91 = tpu.memref_slice %arg14[%dma_start3A_89, %dma_start3A_90] : memref<10240x64xbf16, #tpu.memory_space<vmem_shared>> -> memref<10240x64xbf16, #tpu.memory_space<vmem_shared>>
      tpu.enqueue_indirect_dma source(%arg9 : memref<128x64xbf16, #tpu.memory_space<vmem>>) target(%dma_start3A_91 : memref<10240x64xbf16, #tpu.memory_space<vmem_shared>>) offsets(%dma_start3A_88 : memref<128xi32, #tpu.memory_space<vmem>>) semaphore(%arg13 : memref<!tpu.dma_semaphore, #tpu.memory_space<semaphore_mem>>) {add = true}
      %add3A_92 = arith.constant 1 : i32
      %add3A_93 = arith.addi %add3A_74, %add3A_92 : i32
      %lt3A_94 = arith.cmpi slt, %add3A_93, %add3A_7 : i32
      %convert_element_type3A_95 = arith.extui %lt3A_94 : i1 to i32
      %cond3A_96 = arith.constant 0 : i32
      %cond3A_97 = arith.cmpi ne, %convert_element_type3A_95, %cond3A_96 : i32
      scf.if %cond3A_97 {
        %add3A_98 = arith.constant 1 : i32
        %add3A_99 = arith.addi %add3A_74, %add3A_98 : i32
        %mul3A_100 = arith.constant 128 : i32
        %mul3A_101 = arith.muli %add3A_99, %mul3A_100 : i32
        %dma_start3A_102 = tpu.memref_slice %arg6[%mul3A_101] : memref<10240xi32, #tpu.memory_space<vmem>> -> memref<128xi32, #tpu.memory_space<vmem>>
        %dma_start3A_103 = arith.constant 0 : i32
        %dma_start3A_104 = arith.constant 0 : i32
        %dma_start3A_105 = tpu.memref_slice %arg15[%dma_start3A_103, %dma_start3A_104] : memref<10240x64xbf16, #tpu.memory_space<vmem_shared>> -> memref<10240x64xbf16, #tpu.memory_space<vmem_shared>>
        tpu.enqueue_indirect_dma source(%dma_start3A_105 : memref<10240x64xbf16, #tpu.memory_space<vmem_shared>>) target(%arg8 : memref<128x64xbf16, #tpu.memory_space<vmem>>) offsets(%dma_start3A_102 : memref<128xi32, #tpu.memory_space<vmem>>) semaphore(%arg10 : memref<!tpu.dma_semaphore, #tpu.memory_space<semaphore_mem>>)
      } else {
      }
    }
    %sub3A_40 = arith.constant 1 : i32
    %sub3A_41 = arith.subi %add3A_7, %sub3A_40 : i32
    %mul3A_42 = arith.constant 128 : i32
    %mul3A_43 = arith.muli %sub3A_41, %mul3A_42 : i32
    %dma_wait3A = tpu.memref_slice %arg7[%mul3A_43] : memref<10240xi32, #tpu.memory_space<vmem>> -> memref<128xi32, #tpu.memory_space<vmem>>
    %dma_wait3A_44 = arith.constant 0 : i32
    %dma_wait3A_45 = arith.constant 0 : i32
    %dma_wait3A_46 = tpu.memref_slice %arg14[%dma_wait3A_44, %dma_wait3A_45] : memref<10240x64xbf16, #tpu.memory_space<vmem_shared>> -> memref<10240x64xbf16, #tpu.memory_space<vmem_shared>>
    tpu.wait_indirect_dma semaphore(%arg13 : memref<!tpu.dma_semaphore, #tpu.memory_space<semaphore_mem>>) src(%arg9 : memref<128x64xbf16, #tpu.memory_space<vmem>>) dst(%dma_wait3A_46 : memref<10240x64xbf16, #tpu.memory_space<vmem_shared>>)
    %barrier3A_47 = arith.constant 0 : index
    tpu.barrier barrier_id(%barrier3A_47)
    "tpu.region"() ({
      %run_scoped3A = tpu.sem_alloc : memref<!tpu.dma_semaphore, #tpu.memory_space<semaphore_mem>>
      %dma_start3A_48 = arith.constant 0 : i32
      %dma_start3A_49 = tpu.memref_slice %arg5[%arg0, %mul3A_2, %dma_start3A_48] : memref<2x10240x64xbf16, #tpu.memory_space<hbm>> -> memref<1x640x64xbf16, #tpu.memory_space<hbm>>
      %dma_start3A_50 = tpu.memref_squeeze %dma_start3A_49 : memref<1x640x64xbf16, #tpu.memory_space<hbm>> -> memref<640x64xbf16, #tpu.memory_space<hbm>>
      %dma_start3A_51 = arith.constant 0 : i32
      %dma_start3A_52 = tpu.memref_slice %arg14[%mul3A_2, %dma_start3A_51] : memref<10240x64xbf16, #tpu.memory_space<vmem_shared>> -> memref<640x64xbf16, #tpu.memory_space<vmem_shared>>
      tpu.enqueue_dma source(%dma_start3A_52 : memref<640x64xbf16, #tpu.memory_space<vmem_shared>>) target(%dma_start3A_50 : memref<640x64xbf16, #tpu.memory_space<hbm>>) target_semaphore(%run_scoped3A : memref<!tpu.dma_semaphore, #tpu.memory_space<semaphore_mem>>)
      %dma_wait3A_53 = arith.constant 0 : i32
      %dma_wait3A_54 = tpu.memref_slice %arg5[%arg0, %mul3A_2, %dma_wait3A_53] : memref<2x10240x64xbf16, #tpu.memory_space<hbm>> -> memref<1x640x64xbf16, #tpu.memory_space<hbm>>
      %dma_wait3A_55 = tpu.memref_squeeze %dma_wait3A_54 : memref<1x640x64xbf16, #tpu.memory_space<hbm>> -> memref<640x64xbf16, #tpu.memory_space<hbm>>
      %dma_wait3A_56 = arith.constant 0 : i32
      %dma_wait3A_57 = tpu.memref_slice %arg14[%mul3A_2, %dma_wait3A_56] : memref<10240x64xbf16, #tpu.memory_space<vmem_shared>> -> memref<640x64xbf16, #tpu.memory_space<vmem_shared>>
      tpu.wait_dma2 semaphore(%run_scoped3A : memref<!tpu.dma_semaphore, #tpu.memory_space<semaphore_mem>>) src(%dma_wait3A_57 : memref<640x64xbf16, #tpu.memory_space<vmem_shared>>) dst(%dma_wait3A_55 : memref<640x64xbf16, #tpu.memory_space<hbm>>)
      tpu.yield
    }) : () -> ()
    return
  }
}

module attributes {stable_mosaic.version = 14 : i64} {
  func.func @_prep_body(%arg0: i32, %arg1: memref<10240x128xf32, #tpu.memory_space<vmem>>, %arg2: memref<64x128xf32, #tpu.memory_space<vmem>>, %arg3: memref<2x10240x16xf32, #tpu.memory_space<vmem>>, %arg4: memref<10240x64xbf16, #tpu.memory_space<vmem>>) attributes {dimension_semantics = [#tpu.dimension_semantics<arbitrary>], iteration_bounds = array<i64: 1>, scalar_prefetch = 0 : i64, scratch_operands = 0 : i64, tpu.core_type = #tpu.core_type<tc>, window_params = [{transform_indices = @transform_0, window_bounds = array<i64: 10240, 128>}, {pipeline_mode = #tpu.pipeline_mode<synchronous>, transform_indices = @transform_1, window_bounds = array<i64: 64, 128>}, {transform_indices = @transform_2, window_bounds = array<i64: 2, 10240, 16>}, {transform_indices = @transform_3, window_bounds = array<i64: 10240, 64>}]} {
    %get3A = arith.constant 0 : index
    %get3A_0 = arith.constant 0 : index
    %get3A_1 = vector.load %arg1[%get3A, %get3A_0] : memref<10240x128xf32, #tpu.memory_space<vmem>>, vector<10240x128xf32>
    %get3A_2 = arith.constant 0 : index
    %get3A_3 = arith.constant 0 : index
    %get3A_4 = vector.load %arg2[%get3A_2, %get3A_3] : memref<64x128xf32, #tpu.memory_space<vmem>>, vector<64x128xf32>
    %dot_general3A = arith.constant dense<0.000000e+00> : vector<10240x64xf32>
    %dot_general3A_5 = tpu.matmul %get3A_1, %get3A_4, %dot_general3A {dimension_numbers = #tpu.dot_dimension_numbers<[1], [1], [0], [0], [0, 0, 1, 0], [], []>, precision = #tpu.contract_precision<fp32>, transpose_lhs_hint = false} : vector<10240x128xf32>, vector<64x128xf32>, vector<10240x64xf32> -> vector<10240x64xf32>
    %get3A_6 = arith.constant 0 : index
    %get3A_7 = arith.constant 0 : index
    %get3A_8 = arith.constant 0 : index
    %get3A_9 = vector.load %arg3[%get3A_6, %get3A_7, %get3A_8] : memref<2x10240x16xf32, #tpu.memory_space<vmem>>, vector<1x10240x1xf32>
    %get3A_10 = vector.shape_cast %get3A_9 : vector<1x10240x1xf32> to vector<10240x1xf32>
    %add3A = arith.constant 1.000000e+00 : f32
    %add3A_11 = vector.broadcast %add3A : f32 to vector<10240x1xf32>
    %add3A_12 = arith.addf %add3A_11, %get3A_10 : vector<10240x1xf32>
    %get3A_13 = arith.constant 1 : index
    %get3A_14 = arith.constant 0 : index
    %get3A_15 = arith.constant 0 : index
    %get3A_16 = vector.load %arg3[%get3A_13, %get3A_14, %get3A_15] : memref<2x10240x16xf32, #tpu.memory_space<vmem>>, vector<1x10240x1xf32>
    %get3A_17 = vector.shape_cast %get3A_16 : vector<1x10240x1xf32> to vector<10240x1xf32>
    %add3A_18 = arith.addf %add3A_12, %get3A_17 : vector<10240x1xf32>
    %rsqrt3A = math.rsqrt %add3A_18 : vector<10240x1xf32>
    %mul3A = vector.broadcast %rsqrt3A : vector<10240x1xf32> to vector<10240x64xf32>
    %mul3A_19 = arith.mulf %dot_general3A_5, %mul3A : vector<10240x64xf32>
    %convert_element_type3A = arith.truncf %mul3A_19 : vector<10240x64xf32> to vector<10240x64xbf16>
    %swap3A = arith.constant 0 : index
    %swap3A_20 = arith.constant 0 : index
    %swap3A_21 = vector.load %arg4[%swap3A, %swap3A_20] : memref<10240x64xbf16, #tpu.memory_space<vmem>>, vector<10240x64xbf16>
    tpu.vector_store %arg4[%swap3A, %swap3A_20], %convert_element_type3A {strides = array<i32>} : memref<10240x64xbf16, #tpu.memory_space<vmem>>, vector<10240x64xbf16>,
    return
  }
  func.func @transform_0(%arg0: i32) -> (i32, i32) {
    %c0_i32 = arith.constant 0 : i32
    %c0_i32_0 = arith.constant 0 : i32
    return %arg0, %c0_i32 : i32, i32
  }
  func.func @transform_1(%arg0: i32) -> (i32, i32) {
    %c0_i32 = arith.constant 0 : i32
    %c0_i32_0 = arith.constant 0 : i32
    %c0_i32_1 = arith.constant 0 : i32
    return %c0_i32, %c0_i32_0 : i32, i32
  }
  func.func @transform_2(%arg0: i32) -> (i32, i32, i32) {
    %c0_i32 = arith.constant 0 : i32
    %c0_i32_0 = arith.constant 0 : i32
    %c0_i32_1 = arith.constant 0 : i32
    return %c0_i32, %arg0, %c0_i32_0 : i32, i32, i32
  }
  func.func @transform_3(%arg0: i32) -> (i32, i32) {
    %c0_i32 = arith.constant 0 : i32
    %c0_i32_0 = arith.constant 0 : i32
    return %arg0, %c0_i32 : i32, i32
  }
}

module attributes {stable_mosaic.version = 14 : i64} {
  func.func @_mid_body(%arg0: i32, %arg1: memref<2x10240x64xbf16, #tpu.memory_space<vmem>>, %arg2: memref<10240x64xbf16, #tpu.memory_space<vmem>>, %arg3: memref<2x10240x16xf32, #tpu.memory_space<vmem>>, %arg4: memref<10240x64xbf16, #tpu.memory_space<vmem>>) attributes {dimension_semantics = [#tpu.dimension_semantics<arbitrary>], iteration_bounds = array<i64: 1>, scalar_prefetch = 0 : i64, scratch_operands = 0 : i64, tpu.core_type = #tpu.core_type<tc>, window_params = [{transform_indices = @transform_0, window_bounds = array<i64: 2, 10240, 64>}, {transform_indices = @transform_1, window_bounds = array<i64: 10240, 64>}, {transform_indices = @transform_2, window_bounds = array<i64: 2, 10240, 16>}, {transform_indices = @transform_3, window_bounds = array<i64: 10240, 64>}]} {
    %get3A = arith.constant 0 : index
    %get3A_0 = arith.constant 0 : index
    %get3A_1 = arith.constant 0 : index
    %get3A_2 = vector.load %arg1[%get3A, %get3A_0, %get3A_1] : memref<2x10240x64xbf16, #tpu.memory_space<vmem>>, vector<1x10240x64xbf16>
    %get3A_3 = vector.shape_cast %get3A_2 : vector<1x10240x64xbf16> to vector<10240x64xbf16>
    %convert_element_type3A = arith.extf %get3A_3 : vector<10240x64xbf16> to vector<10240x64xf32>
    %get3A_4 = arith.constant 1 : index
    %get3A_5 = arith.constant 0 : index
    %get3A_6 = arith.constant 0 : index
    %get3A_7 = vector.load %arg1[%get3A_4, %get3A_5, %get3A_6] : memref<2x10240x64xbf16, #tpu.memory_space<vmem>>, vector<1x10240x64xbf16>
    %get3A_8 = vector.shape_cast %get3A_7 : vector<1x10240x64xbf16> to vector<10240x64xbf16>
    %convert_element_type3A_9 = arith.extf %get3A_8 : vector<10240x64xbf16> to vector<10240x64xf32>
    %add3A = arith.addf %convert_element_type3A, %convert_element_type3A_9 : vector<10240x64xf32>
    %get3A_10 = arith.constant 0 : index
    %get3A_11 = arith.constant 0 : index
    %get3A_12 = vector.load %arg2[%get3A_10, %get3A_11] : memref<10240x64xbf16, #tpu.memory_space<vmem>>, vector<10240x64xbf16>
    %convert_element_type3A_13 = arith.extf %get3A_12 : vector<10240x64xbf16> to vector<10240x64xf32>
    %sub3A = arith.subf %add3A, %convert_element_type3A_13 : vector<10240x64xf32>
    %get3A_14 = arith.constant 0 : index
    %get3A_15 = arith.constant 0 : index
    %get3A_16 = arith.constant 0 : index
    %get3A_17 = vector.load %arg3[%get3A_14, %get3A_15, %get3A_16] : memref<2x10240x16xf32, #tpu.memory_space<vmem>>, vector<1x10240x1xf32>
    %get3A_18 = vector.shape_cast %get3A_17 : vector<1x10240x1xf32> to vector<10240x1xf32>
    %add3A_19 = arith.constant 1.000000e+00 : f32
    %add3A_20 = vector.broadcast %add3A_19 : f32 to vector<10240x1xf32>
    %add3A_21 = arith.addf %add3A_20, %get3A_18 : vector<10240x1xf32>
    %get3A_22 = arith.constant 1 : index
    %get3A_23 = arith.constant 0 : index
    %get3A_24 = arith.constant 0 : index
    %get3A_25 = vector.load %arg3[%get3A_22, %get3A_23, %get3A_24] : memref<2x10240x16xf32, #tpu.memory_space<vmem>>, vector<1x10240x1xf32>
    %get3A_26 = vector.shape_cast %get3A_25 : vector<1x10240x1xf32> to vector<10240x1xf32>
    %add3A_27 = arith.addf %add3A_21, %get3A_26 : vector<10240x1xf32>
    %div3A = vector.broadcast %add3A_27 : vector<10240x1xf32> to vector<10240x64xf32>
    %div3A_28 = arith.divf %sub3A, %div3A : vector<10240x64xf32>
    %convert_element_type3A_29 = arith.truncf %div3A_28 : vector<10240x64xf32> to vector<10240x64xbf16>
    %swap3A = arith.constant 0 : index
    %swap3A_30 = arith.constant 0 : index
    %swap3A_31 = vector.load %arg4[%swap3A, %swap3A_30] : memref<10240x64xbf16, #tpu.memory_space<vmem>>, vector<10240x64xbf16>
    tpu.vector_store %arg4[%swap3A, %swap3A_30], %convert_element_type3A_29 {strides = array<i32>} : memref<10240x64xbf16, #tpu.memory_space<vmem>>, vector<10240x64xbf16>,
    return
  }
  func.func @transform_0(%arg0: i32) -> (i32, i32, i32) {
    %c0_i32 = arith.constant 0 : i32
    %c0_i32_0 = arith.constant 0 : i32
    %c0_i32_1 = arith.constant 0 : i32
    return %c0_i32, %arg0, %c0_i32_0 : i32, i32, i32
  }
  func.func @transform_1(%arg0: i32) -> (i32, i32) {
    %c0_i32 = arith.constant 0 : i32
    %c0_i32_0 = arith.constant 0 : i32
    return %arg0, %c0_i32 : i32, i32
  }
  func.func @transform_2(%arg0: i32) -> (i32, i32, i32) {
    %c0_i32 = arith.constant 0 : i32
    %c0_i32_0 = arith.constant 0 : i32
    %c0_i32_1 = arith.constant 0 : i32
    return %c0_i32, %arg0, %c0_i32_0 : i32, i32, i32
  }
  func.func @transform_3(%arg0: i32) -> (i32, i32) {
    %c0_i32 = arith.constant 0 : i32
    %c0_i32_0 = arith.constant 0 : i32
    return %arg0, %c0_i32 : i32, i32
  }
}

module attributes {stable_mosaic.version = 14 : i64} {
  func.func @_final_body(%arg0: i32, %arg1: memref<2x10240x64xbf16, #tpu.memory_space<vmem>>, %arg2: memref<10240x64xbf16, #tpu.memory_space<vmem>>, %arg3: memref<2x10240x16xf32, #tpu.memory_space<vmem>>, %arg4: memref<8x64xf32, #tpu.memory_space<vmem>>, %arg5: memref<10000x64xf32, #tpu.memory_space<vmem>>) attributes {dimension_semantics = [#tpu.dimension_semantics<arbitrary>], iteration_bounds = array<i64: 1>, scalar_prefetch = 0 : i64, scratch_operands = 0 : i64, tpu.core_type = #tpu.core_type<tc>, window_params = [{pipeline_mode = #tpu.pipeline_mode<synchronous>, transform_indices = @transform_0, window_bounds = array<i64: 2, 10240, 64>}, {pipeline_mode = #tpu.pipeline_mode<synchronous>, transform_indices = @transform_1, window_bounds = array<i64: 10240, 64>}, {pipeline_mode = #tpu.pipeline_mode<synchronous>, transform_indices = @transform_2, window_bounds = array<i64: 2, 10240, 16>}, {pipeline_mode = #tpu.pipeline_mode<synchronous>, transform_indices = @transform_3, window_bounds = array<i64: 8, 64>}, {pipeline_mode = #tpu.pipeline_mode<synchronous>, transform_indices = @transform_4, window_bounds = array<i64: 10000, 64>}]} {
    %get3A = arith.constant 0 : index
    %get3A_0 = arith.constant 0 : index
    %get3A_1 = arith.constant 0 : index
    %get3A_2 = vector.load %arg1[%get3A, %get3A_0, %get3A_1] : memref<2x10240x64xbf16, #tpu.memory_space<vmem>>, vector<1x10240x64xbf16>
    %get3A_3 = vector.shape_cast %get3A_2 : vector<1x10240x64xbf16> to vector<10240x64xbf16>
    %convert_element_type3A = arith.extf %get3A_3 : vector<10240x64xbf16> to vector<10240x64xf32>
    %get3A_4 = arith.constant 1 : index
    %get3A_5 = arith.constant 0 : index
    %get3A_6 = arith.constant 0 : index
    %get3A_7 = vector.load %arg1[%get3A_4, %get3A_5, %get3A_6] : memref<2x10240x64xbf16, #tpu.memory_space<vmem>>, vector<1x10240x64xbf16>
    %get3A_8 = vector.shape_cast %get3A_7 : vector<1x10240x64xbf16> to vector<10240x64xbf16>
    %convert_element_type3A_9 = arith.extf %get3A_8 : vector<10240x64xbf16> to vector<10240x64xf32>
    %add3A = arith.addf %convert_element_type3A, %convert_element_type3A_9 : vector<10240x64xf32>
    %get3A_10 = arith.constant 0 : index
    %get3A_11 = arith.constant 0 : index
    %get3A_12 = vector.load %arg2[%get3A_10, %get3A_11] : memref<10240x64xbf16, #tpu.memory_space<vmem>>, vector<10240x64xbf16>
    %convert_element_type3A_13 = arith.extf %get3A_12 : vector<10240x64xbf16> to vector<10240x64xf32>
    %sub3A = arith.subf %add3A, %convert_element_type3A_13 : vector<10240x64xf32>
    %get3A_14 = arith.constant 0 : index
    %get3A_15 = arith.constant 0 : index
    %get3A_16 = arith.constant 0 : index
    %get3A_17 = vector.load %arg3[%get3A_14, %get3A_15, %get3A_16] : memref<2x10240x16xf32, #tpu.memory_space<vmem>>, vector<1x10240x1xf32>
    %get3A_18 = vector.shape_cast %get3A_17 : vector<1x10240x1xf32> to vector<10240x1xf32>
    %add3A_19 = arith.constant 1.000000e+00 : f32
    %add3A_20 = vector.broadcast %add3A_19 : f32 to vector<10240x1xf32>
    %add3A_21 = arith.addf %add3A_20, %get3A_18 : vector<10240x1xf32>
    %get3A_22 = arith.constant 1 : index
    %get3A_23 = arith.constant 0 : index
    %get3A_24 = arith.constant 0 : index
    %get3A_25 = vector.load %arg3[%get3A_22, %get3A_23, %get3A_24] : memref<2x10240x16xf32, #tpu.memory_space<vmem>>, vector<1x10240x1xf32>
    %get3A_26 = vector.shape_cast %get3A_25 : vector<1x10240x1xf32> to vector<10240x1xf32>
    %add3A_27 = arith.addf %add3A_21, %get3A_26 : vector<10240x1xf32>
    %rsqrt3A = math.rsqrt %add3A_27 : vector<10240x1xf32>
    %mul3A = vector.broadcast %rsqrt3A : vector<10240x1xf32> to vector<10240x64xf32>
    %mul3A_28 = arith.mulf %sub3A, %mul3A : vector<10240x64xf32>
    %get3A_29 = arith.constant 0 : index
    %get3A_30 = arith.constant 0 : index
    %get3A_31 = vector.load %arg4[%get3A_29, %get3A_30] : memref<8x64xf32, #tpu.memory_space<vmem>>, vector<1x64xf32>
    %add3A_32 = vector.broadcast %get3A_31 : vector<1x64xf32> to vector<10240x64xf32>
    %add3A_33 = arith.addf %mul3A_28, %add3A_32 : vector<10240x64xf32>
    %reduce_max3A = arith.constant dense<0xFF800000> : vector<10240xf32>
    %reduce_max3A_34 = vector.multi_reduction <maximumf>, %add3A_33, %reduce_max3A [1] : vector<10240x64xf32> to vector<10240xf32>
    %broadcast_in_dim3A = vector.shape_cast %reduce_max3A_34 : vector<10240xf32> to vector<10240x1xf32>
    %sub3A_35 = vector.broadcast %broadcast_in_dim3A : vector<10240x1xf32> to vector<10240x64xf32>
    %sub3A_36 = arith.subf %add3A_33, %sub3A_35 : vector<10240x64xf32>
    %exp3A = math.exp %sub3A_36 : vector<10240x64xf32>
    %reduce_sum3A = arith.constant dense<0.000000e+00> : vector<10240xf32>
    %reduce_sum3A_37 = vector.multi_reduction <add>, %exp3A, %reduce_sum3A [1] : vector<10240x64xf32> to vector<10240xf32>
    %broadcast_in_dim3A_38 = vector.shape_cast %reduce_sum3A_37 : vector<10240xf32> to vector<10240x1xf32>
    %log3A = math.log %broadcast_in_dim3A_38 : vector<10240x1xf32>
    %sub3A_39 = vector.broadcast %log3A : vector<10240x1xf32> to vector<10240x64xf32>
    %sub3A_40 = arith.subf %sub3A_36, %sub3A_39 : vector<10240x64xf32>
    %slice3A = vector.extract_strided_slice %sub3A_40 {offsets = [0, 0], sizes = [10000, 64], strides = [1, 1]} : vector<10240x64xf32> to vector<10000x64xf32>
    %swap3A = arith.constant 0 : index
    %swap3A_41 = arith.constant 0 : index
    %swap3A_42 = vector.load %arg5[%swap3A, %swap3A_41] : memref<10000x64xf32, #tpu.memory_space<vmem>>, vector<10000x64xf32>
    tpu.vector_store %arg5[%swap3A, %swap3A_41], %slice3A {strides = array<i32>} : memref<10000x64xf32, #tpu.memory_space<vmem>>, vector<10000x64xf32>,
    return
  }
  func.func @transform_0(%arg0: i32) -> (i32, i32, i32) {
    %c0_i32 = arith.constant 0 : i32
    %c0_i32_0 = arith.constant 0 : i32
    %c0_i32_1 = arith.constant 0 : i32
    %c0_i32_2 = arith.constant 0 : i32
    return %c0_i32, %c0_i32_0, %c0_i32_1 : i32, i32, i32
  }
  func.func @transform_1(%arg0: i32) -> (i32, i32) {
    %c0_i32 = arith.constant 0 : i32
    %c0_i32_0 = arith.constant 0 : i32
    %c0_i32_1 = arith.constant 0 : i32
    return %c0_i32, %c0_i32_0 : i32, i32
  }
  func.func @transform_2(%arg0: i32) -> (i32, i32, i32) {
    %c0_i32 = arith.constant 0 : i32
    %c0_i32_0 = arith.constant 0 : i32
    %c0_i32_1 = arith.constant 0 : i32
    %c0_i32_2 = arith.constant 0 : i32
    return %c0_i32, %c0_i32_0, %c0_i32_1 : i32, i32, i32
  }
  func.func @transform_3(%arg0: i32) -> (i32, i32) {
    %c0_i32 = arith.constant 0 : i32
    %c0_i32_0 = arith.constant 0 : i32
    %c0_i32_1 = arith.constant 0 : i32
    return %c0_i32, %c0_i32_0 : i32, i32
  }
  func.func @transform_4(%arg0: i32) -> (i32, i32) {
    %c0_i32 = arith.constant 0 : i32
    %c0_i32_0 = arith.constant 0 : i32
    %c0_i32_1 = arith.constant 0 : i32
    return %c0_i32, %c0_i32_0 : i32, i32
  }
}

</mosaic_0001>

<sc_bundles>
// kernel: kernel.11.cloned.1.call-start
scs
__scs_entry_jumppad:
0x0: {  	(pc) =	sbr.rel $0x88, $3  }
0x1: {  	(tag) =	ssettag $0x0;
	lr =	simm.s32 $0x1  }
0x2: {  	[smem:$0x3F9D] =	sst lr;
	_ =	strace $0xD0000000  }
0x3: {  	_ = 	snop  }
0x4: {  	_ = 	snop  }
0x5: {  	_ = 	snop  }
0x6: {  	_ = 	snop  }
0x7: {  	_ = 	snop  }
__scs_overlays_trampoline_lowered:
0x8: {  	[smem:$0x3FAC] =	sst s0  }
0x9: {  	[smem:$0x3FAD] =	sst s1  }
0xa: {  	[smem:$0x3FAE] =	sst s2  }
0xb: {  	[smem:$0x3FAF] =	sst s3  }
0xc: {  	[smem:$0x3FB0] =	sst s4  }
0xd: {  	[smem:$0x3FB1] =	sst s5  }
0xe: {  	[smem:$0x3FB2] =	sst s6  }
0xf: {  	[smem:$0x3FB3] =	sst s7  }
0x10: {  	[smem:$0x3FB4] =	sst s8  }
0x11: {  	[smem:$0x3FB5] =	sst s9;
	s0 =	simm.s32 @!p0 $0x0  }
0x12: {  	s1 =	sld [smem:$0x3F9B];
	s0 =	simm.s32 @p0 $0x1  }
0x13: {  	[smem:$0x3FB6] =	sst s0;
	s0 =	simm.s32 @!p1 $0x0  }
0x14: {  	s2 =	sld [smem:$0x3F9A];
	s0 =	simm.s32 @p1 $0x1  }
0x15: {  	[smem:$0x3FB7] =	sst s0;
	s0 =	simm.s32 @!p2 $0x0  }
0x16: {  	s3 =	sld [smem:$0x3FDB];
	s0 =	simm.s32 @p2 $0x1  }
0x17: {  	s4 =	simm.s32 $0x1BF5;
	[smem:$0x3FB9] =	sst s0  }
0x18: {  	s0 =	sld [smem:$0x3F9C];
	_ =	swait.ge [sflag:s4], $0x0  }
0x19: {  	s7 =	sld [smem:$0x3F9D]  }
0x1a: {  	s8 =	sadd.s32 $0xFFFFE003, lr  }
0x1b: {  	s9 =	sadd.s32 $0xFFFFFEF7, lr;
	s5 =	simm.s32 $0xFFFFFFFF;
	p2 =	slt.u32 s8, $0xFFFFF086  }
0x1c: {  	p1 =	slt.u32 s9, $0xF7A;
	s5 =	simm.s32 @!p2 $0x0  }
0x1d: {  	s5 =	simm.s32 @p1 $0x1;
	p0 =	seq.s32 s7, s2  }
0x1e: {  	s7 =	smul.u32 @!p0 $0xF7A, s2;
	p2 =	seq.s32 @!p0 s5, $0x0  }
0x1f: {  	s9 =	smul.u32 $0xF7A, s1;
	s8 =	simm.s32 @!p0 $0x1BF5;
	p2 =	por !p2, p0  }
0x20: {  	[sflag:s8] =	ssyncset.s32 @!p0 $0xFFFFF086;
	s6 =	sadd.s32 @!p0 s3, s7;
	s7 =	simm.s32 @!p0 $0x108  }
0x21: {  	s3 =	sadd.s32 s3, s9;
	s6 =	sadd.s32 @!p0 $0x88, s6;
	s7 =	simm.s32 @p2 $0x1082  }
0x22: {  	[simem:s7], [sflag:s8] =	dma.local @!p0 [hbm:s6], $0xF7A  }
0x23: {  	s9 =	sor.u32 $0xD0000000, s2;
	s6 =	simm.s32 $0x108;
	_ =	swait.ge @!p0 [sflag:s8], $0x0  }
0x24: {  	s3 =	sadd.s32 $0x88, s3;
	s6 =	simm.s32 @!p1 $0x1082;
	[sflag:s4] =	ssyncset.s32 $0xFFFFF086  }
0x25: {  	[simem:s6], [sflag:s4] =	dma.local [hbm:s3], $0xF7A  }
0x26: {  	[smem:$0x3F9D] =	sst s1;
	(tag) =	ssettag s2;
	_ =	strace s9  }
0x27: {  	s1 =	sld [smem:$0x3FAD]  }
0x28: {  	s2 =	sld [smem:$0x3FAE]  }
0x29: {  	s4 =	sld [smem:$0x3FB0]  }
0x2a: {  	p0 =	seq.s32 s5, $0x0;
	s5 =	sld [smem:$0x3FB1]  }
0x2b: {  	s6 =	sld [smem:$0x3FB2]  }
0x2c: {  	s7 =	sld [smem:$0x3FB3]  }
0x2d: {  	s3 =	simm.s32 $0x108;
	s8 =	sld [smem:$0x3FB4]  }
0x2e: {  	s3 =	simm.s32 @!p0 $0x1082;
	s9 =	sld [smem:$0x3FB5]  }
0x2f: {  	lr =	sadd.s32 s0, s3;
	s0 =	sld [smem:$0x3FAC]  }
0x30: {  	s3 =	sld [smem:$0x3FAF]  }
0x31: {  	[smem:$0x3FB8] =	sst s10  }
0x32: {  	s10 =	sld [smem:$0x3FB6];
	_ =	sdelay $0x3  }
0x33: {  	p0 =	seq.s32 s10, $0x1;
	s10 =	sld [smem:$0x3FB8];
	_ =	sdelay $0x3  }
0x34: {  	[smem:$0x3FB8] =	sst s10  }
0x35: {  	s10 =	sld [smem:$0x3FB7];
	_ =	sdelay $0x3  }
0x36: {  	p1 =	seq.s32 s10, $0x1;
	s10 =	sld [smem:$0x3FB8];
	_ =	sdelay $0x3  }
0x37: {  	[smem:$0x3FB8] =	sst s10  }
0x38: {  	s10 =	sld [smem:$0x3FB9]  }
0x39: {  	_ = 	snop;
	(pc) =	sbr.ind lr, $3  }
0x3a: {  	_ = 	snop  }
0x3b: {  	_ = 	snop  }
0x3c: {  	p2 =	seq.s32 s10, $0x1;
	s10 =	sld [smem:$0x3FB8]  }
0x3d: {  	_ =	shalt  }
0x3e: {  	_ =	shalt  }
0x3f: {  	_ =	shalt  }
0x40: {  	_ =	shalt  }
0x41: {  	_ =	shalt  }
0x42: {  	_ =	shalt  }
0x43: {  	_ =	shalt  }
0x44: {  	_ =	shalt  }
0x45: {  	_ =	shalt  }
0x46: {  	_ =	shalt  }
0x47: {  	_ =	shalt  }
0x48: {  	_ =	shalt  }
0x49: {  	_ =	shalt  }
0x4a: {  	_ =	shalt  }
0x4b: {  	_ =	shalt  }
0x4c: {  	_ =	shalt  }
0x4d: {  	_ =	shalt  }
0x4e: {  	_ =	shalt  }
0x4f: {  	_ =	shalt  }
0x50: {  	_ =	shalt  }
0x51: {  	_ =	shalt  }
0x52: {  	_ =	shalt  }
0x53: {  	_ =	shalt  }
0x54: {  	_ =	shalt  }
0x55: {  	_ =	shalt  }
0x56: {  	_ =	shalt  }
0x57: {  	_ =	shalt  }
0x58: {  	_ =	shalt  }
0x59: {  	_ =	shalt  }
0x5a: {  	_ =	shalt  }
0x5b: {  	_ =	shalt  }
0x5c: {  	_ =	shalt  }
0x5d: {  	_ =	shalt  }
0x5e: {  	_ =	shalt  }
0x5f: {  	_ =	shalt  }
0x60: {  	_ =	shalt  }
0x61: {  	_ =	shalt  }
0x62: {  	_ =	shalt  }
0x63: {  	_ =	shalt  }
0x64: {  	_ =	shalt  }
0x65: {  	_ =	shalt  }
0x66: {  	_ =	shalt  }
0x67: {  	_ =	shalt  }
0x68: {  	_ =	shalt  }
0x69: {  	_ =	shalt  }
0x6a: {  	_ =	shalt  }
0x6b: {  	_ =	shalt  }
0x6c: {  	_ =	shalt  }
0x6d: {  	_ =	shalt  }
0x6e: {  	_ =	shalt  }
0x6f: {  	_ =	shalt  }
0x70: {  	_ =	shalt  }
0x71: {  	_ =	shalt  }
0x72: {  	_ =	shalt  }
0x73: {  	_ =	shalt  }
0x74: {  	_ =	shalt  }
0x75: {  	_ =	shalt  }
0x76: {  	_ =	shalt  }
0x77: {  	_ =	shalt  }
0x78: {  	_ =	shalt  }
0x79: {  	_ =	shalt  }
0x7a: {  	_ =	shalt  }
0x7b: {  	_ =	shalt  }
0x7c: {  	_ =	shalt  }
0x7d: {  	_ =	shalt  }
0x7e: {  	_ =	shalt  }
0x7f: {  	_ =	shalt  }
0x80: {  	_ =	shalt  }
0x81: {  	_ =	shalt  }
0x82: {  	_ =	shalt  }
0x83: {  	_ =	shalt  }
0x84: {  	_ =	shalt  }
0x85: {  	_ =	shalt  }
0x86: {  	_ =	shalt  }
0x87: {  	_ =	shalt  }
.Lfunc_end0:
.L_simem_size_0:
called_computation.1_lowered:
.L_overlay_start_0:
0x88: {  	s2 =	sld [smem:$0x3FD9]  }
0x89: {  	s3 =	sld [smem:$0x3FFE];
	_ =	sdelay $0x1  }
0x8a: {  	s1 =	srdreg.scid  }
0x8b: {  	s0 =	sand.u32 $0x1, s1  }
0x8c: {  	s17 =	sshll.u32 s0, $0xA;
	s2 =	sadd.s32 s3, s2  }
0x8d: {  	s2 =	sadd.s32 s2, s17  }
0x8e: {  	[smem:$0x3FC4] =	sst s2  }
0x8f: {  	_ = 	snop  }
0x90: {  	s2 =	sld [smem:$0x3FD0];
	(tm) =	ssettm $0x1  }
0x91: {  	s18 =	sld [smem:$0x3FFB];
	_ =	sdelay $0x3  }
0x92: {  	_ =	strace s18  }
0x93: {  	s3 =	sld [smem:$0x3FFC];
	_ =	sdelay $0x3  }
0x94: {  	_ =	strace s3  }
0x95: {  	s3 =	sld [smem:$0x3FFD];
	_ =	sdelay $0x3  }
0x96: {  	_ =	strace s3  }
0x97: {  	_ =	strace $0x8FFFFFFF  }
0x98: {  	s19 =	sld [smem:$0x3FDB];
	_ =	sdelay $0x1  }
0x99: {  	s4 =	simm.s32 $_scs_section_size  }
0x9a: {  	s5 =	simm.s32 $_size__tile_overlayer_lowered;
	s6 =	simm.s32 $_tile_overlayer_lowered  }
0x9b: {  	s22 =	simm.s32 $0x1BFF;
	s21 =	sshll.u32 s6, $0x1;
	s3 =	sadd.s32 s4, s19  }
0x9c: {  	s7 =	simm.s32 $0x0;
	s20 =	sshll.u32 s5, $0x1;
	s5 =	sadd.s32 s21, s3  }
0x9d: {  	[timem:s7], [sflag:s22] =	dma.local [hbm:s5], s20  }
0x9e: {  	_ =	swait.ge [sflag:s22], s20  }
0x9f: {  	s4 =	ssub.s32 $0x0, s20;
	[sflag:s22] =	ssyncset.done $0x0  }
0xa0: {  	[sflag:s22] =	ssyncadd.s32 s4;
	_ =	sdelay $0x1  }
0xa1: {  	s23 =	simm.s32 $0x1B8B  }
0xa2: {  	_ =	swait.ge [sflag:s23], $0x1  }
0xa3: {  	[sflag:s23] =	ssyncset.done $0x0  }
0xa4: {  	s25 =	simm.s32 $0x1B8E;
	s24 =	sld [smem:$0x3FFE];
	[sflag:s23] =	ssyncadd.s32 $0xFFFFFFFF  }
0xa5: {  	s26 =	simm.s32 $execute0_lowered;
	[smem:$0x3FD2] =	sst s25  }
0xa6: {  	s5 =	sshll.u32 s26, $0x1;
	_ =	strace $0x80000049;
	[dreg:$0x1] =	wrdreg $0xFFFFFFFF  }
0xa7: {  	s28 =	simm.s32 $_size_execute0_lowered;
	s3 =	sadd.s32 s3, s5;
	[dreg:$0x0] =	wrdreg $0x0  }
0xa8: {  	s5 =	sshll.u32 s28, $0x1;
	[dreg:$0x2] =	wrdreg s3  }
0xa9: {  	[dreg:$0x3] =	wrdreg s5  }
0xaa: {  	[dreg:$0x4] =	wrdreg $0xC0  }
0xab: {  	_ =	task [dreg:s7], $0x5FFFF  }
0xac: {  	[dreg:$0x1] =	wrdreg $0xFFFFFFFF  }
0xad: {  	[dreg:$0x0] =	wrdreg $0x60  }
0xae: {  	[dreg:$0x2] =	wrdreg s2  }
0xaf: {  	[dreg:$0x3] =	wrdreg s24  }
0xb0: {  	[dreg:$0x4] =	wrdreg $0x70000  }
0xb1: {  	[dreg:$0x5] =	wrdreg $0xC0000  }
0xb2: {  	[dreg:$0x6] =	wrdreg $0x9  }
0xb3: {  	_ =	task.clear_ibuf [dreg:s7], $0x7FFFF;
	_ =	strace $0x90000049  }
0xb4: {  	s29 =	simm.s32 $0x9;
	_ =	strace $0x8000004B  }
0xb5: {  	_ =	swait.ge [sflag:s29], $0x1  }
0xb6: {  	[sflag:s29] =	ssyncadd.s32 $0xFFFFFFFF  }
0xb7: {  	_ =	strace $0x9000004B  }
0xb8: {  	_ =	sfence  }
0xb9: {  	s30 =	sld [smem:$0x0];
	_ =	sdelay $0x2  }
0xba: {  	s31 =	sshll.u32 s1, $0xD;
	s1 =	sshrl.u32 s1, $0x2  }
0xbb: {  	s3 =	sand.u32 $0x4000, s31;
	s1 =	sadd.s32 s1, s30  }
0xbc: {  	s0 =	sor.u32 s3, s0;
	s1 =	sshll.u32 s1, $0x11  }
0xbd: {  	s0 =	sor.u32 s1, s0  }
0xbe: {  	s0 =	sadd.s32 $0x8F2B, s0  }
0xbf: {  	[sflag:s0] =	ssyncadd.remote.s32 $0x1  }
0xc0: {  	_ =	sfence.sel $0xFFFF  }
0xc1: {  	[dreg:$0x0] =	wrdreg $0xFFFFFFFF;
	(pc) =	sbr.abs _section_cstart, $3  }
0xc2: {  	[dreg:$0x1] =	wrdreg $0xFFFFFFFF  }
0xc3: {  	_ =	task.clear_ibuf [dreg:s7], $0x2FFFF;
	_ =	strace $0x9FFFFFFF  }
0xc4: {  	(tm) =	ssettm $0x7FFFFFFF  }
0xc5: {  	_ =	shalt  }
tec
execute0_lowered:
.L_overlay_start_1:
0x0: {  	(tag) =	ssettag $0x1  }
0x1: {  	s1 =	rddreg [dreg:$0x0]  }
0x2: {  	s0 =	srdreg.scid;
	s6 =	rddreg [dreg:$0x1]  }
0x3: {  	s12 =	stileid.u32;
	s2 =	rddreg [dreg:$0x2]  }
0x4: {  	s14 =	simm.s32 $0x5;
	s16 =	simm.s32 $0x2800;
	s17 =	simm.s32 $0x80  }
0x5: {  	s18 =	simm.s32 $0x5000;
	s0 =	sand.u32 $0x1, s0;
	s9 =	smul.u32 $0xA000, s12  }
0x6: {  	s24 =	sshll.u32 s12, $0x6;
	s3 =	sshll.u32 s0, $0x4;
	s19 =	smul.u32 $0xA0000, s0  }
0x7: {  	s0 =	ssub.s32 $0x2, s0;
	s5 =	sor.u32 s12, s3;
	s3 =	rddreg [dreg:$0x3]  }
0x8: {  	s21 =	sshrl.u32 s0, $0x1;
	s22 =	sshrl.u32 s9, $0x1;
	s23 =	sshrl.u32 s9, $0x4  }
0x9: {  	s4 =	smax.u32 s5, $0x1E;
	s7 =	smul.u32 $0x2700, s5;
	p0 =	sgt.u32 s5, $0x1D  }
0xa: {  	s5 =	simm.s32 $0x50;
	s0 =	ssub.s32 s0, s21;
	s25 =	sadd.s32 s22, s2  }
0xb: {  	s26 =	sadd.s32 s22, s3;
	s21 =	simm.s32 $0x2;
	s22 =	simm.s32 $0x3  }
0xc: {  	s8 =	sshll.u32 s4, $0x8;
	s4 =	simm.s32 $0x0;
	s5 =	simm.s32 @!p0 $0x4E  }
0xd: {  	s0 =	smax.u32 s0, $0x1;
	s13 =	sshrl.u32 s25, $0x3;
	s15 =	sshrl.u32 s26, $0x3  }
0xe: {  	s25 =	simm.s32 $0x4;
	s26 =	simm.s32 $0x0;
	s7 =	sadd.s32 s8, s7  }
0xf: {  	[smem:$0x7FF] =	sst s4;
	s8 =	sadd.s32 s9, s19;
	s30 =	sshrl.u32 s5, $0x1  }
0x10: {  	s19 =	simm.s32 $0x1;
	s7 =	sadd.s32 $0xFFFFE200, s7;
	s20 =	sshrl.u32 s8, $0x4  }
0x11: {  	_ =	strace $0x8000004A;
	s7 =	sshrl.u32 s7, $0x3;
	s11 =	sadd.s32 s20, s6  }
0x12: {  	[dreg:$0x8] =	wrdreg s0;
	s10 =	sadd.s32 s7, s6;
	s31 =	sadd.s32 $0x64E00, s11  }
0x13: {  	s12 =	sadd.s32 $0xFFFFFFFE, s30;
	s28 =	sadd.s32 $0x1200, s10;
	[dreg:$0x7] =	wrdreg s31  }
0x14: {  	s20 =	simm.s32 $0x6000;
	s29 =	sadd.s32 $0xB000, s10;
	[dreg:$0x5] =	wrdreg s28  }
0x15: {  	s6 =	sadd.s32 s1, s23;
	s7 =	sor.u32 $0x1C05, s24;
	[dreg:$0x6] =	wrdreg s29  }
.LBB2_1:
0x16: {  	[spmem:s13], [sflag:s7] =	dma.local [hbm:s6], $0xA00  }
0x17: {  	_ =	swait.ge [sflag:s14], $0xA00  }
0x18: {  	[sflag:s14] =	ssyncset.done $0x0  }
0x19: {  	[sflag:s14] =	ssyncadd.s32 $0xFFFFF600  }
0x1a: {  	[spmem:s15], [sflag:s7] =	dma.local [hbm:s6], $0xA00  }
0x1b: {  	_ =	swait.ge [sflag:s14], $0xA00  }
0x1c: {  	[sflag:s14] =	ssyncset.done $0x0  }
0x1d: {  	s0 =	rddreg [dreg:$0x5];
	[sflag:s14] =	ssyncadd.s32 $0xFFFFF600  }
0x1e: {  	[tilespmem:s4], [sflag:$0x5] =	stream.linear.gather [hbm4b:s0+s4], $0x2800, $0x38;
	[tilespmem:$0x11000] =	vst v63  }
0x1f: {  	_ =	swait.ge [sflag:s14], $0x2800  }
0x20: {  	[sflag:s14] =	ssyncset.done $0x0  }
0x21: {  	s10 =	rddreg [dreg:$0x6];
	[sflag:s14] =	ssyncadd.s32 $0xFFFFD800  }
0x22: {  	[tilespmem:s16], [sflag:$0x5] =	stream.linear.gather [hbm4b:s10+s4], $0x2800, $0x38;
	[tilespmem:$0x11000] =	vst v63  }
0x23: {  	_ =	swait.ge [sflag:s14], $0x2800  }
0x24: {  	[sflag:s14] =	ssyncset.done $0x0  }
0x25: {  	[sflag:s14] =	ssyncadd.s32 $0xFFFFD800  }
0x26: {  	[bflag:$0x0] =	sbarrier.arrive $0xFFFF  }
0x27: {  	[tilespmem:s18], [sflag:$0x1] =	stream.indirect.gather [spmem:s3], $0x20, s4, s17, $0xb8;
	[tilespmem:$0x11000] =	vst v63  }
0x28: {  	_ =	swait.ge [sflag:s19], $0x1000  }
0x29: {  	[sflag:s19] =	ssyncset.done $0x0  }
0x2a: {  	[sflag:s19] =	ssyncadd.s32 $0xFFFFF000  }
0x2b: {  	[spmem:s2] =	stream.indirect.scatter.add.bf16 [tilespmem:s18], [sflag:$0x3], $0x20, s16, s17, $0xb8;
	[tilespmem:$0x11000] =	vst v63  }
0x2c: {  	_ = 	snop  }
0x2d: {  	[tilespmem:s20], [sflag:$0x2] =	stream.indirect.gather [spmem:s3], $0x20, s17, s17, $0xb8;
	[tilespmem:$0x11000] =	vst v63  }
0x2e: {  	_ =	swait.ge [sflag:s21], $0x1000  }
0x2f: {  	[sflag:s21] =	ssyncset.done $0x0  }
0x30: {  	[sflag:s21] =	ssyncadd.s32 $0xFFFFF000  }
0x31: {  	_ =	swait.ge [sflag:s22], $0x1000  }
0x32: {  	[sflag:s22] =	ssyncset.done $0x0  }
0x33: {  	s11 =	simm.s32 $0x2880;
	[sflag:s22] =	ssyncadd.s32 $0xFFFFF000  }
0x34: {  	[spmem:s2] =	stream.indirect.scatter.add.bf16 [tilespmem:s20], [sflag:$0x4], $0x20, s11, s17, $0xb8;
	[tilespmem:$0x11000] =	vst v63  }
0x35: {  	s23 =	simm.s32 $0x100  }
0x36: {  	[tilespmem:s18], [sflag:$0x1] =	stream.indirect.gather [spmem:s3], $0x20, s23, s17, $0xb8;
	[tilespmem:$0x11000] =	vst v63  }
0x37: {  	_ =	swait.ge [sflag:s19], $0x1000  }
0x38: {  	[sflag:s19] =	ssyncset.done $0x0  }
0x39: {  	[sflag:s19] =	ssyncadd.s32 $0xFFFFF000  }
0x3a: {  	_ =	swait.ge [sflag:s25], $0x1000  }
0x3b: {  	[sflag:s25] =	ssyncset.done $0x0  }
0x3c: {  	s24 =	simm.s32 $0x2900;
	p0 =	sle.u32 s5, $0x3;
	[sflag:s25] =	ssyncadd.s32 $0xFFFFF000  }
0x3d: {  	[spmem:s2] =	stream.indirect.scatter.add.bf16 [tilespmem:s18], [sflag:$0x3], $0x20, s24, s17, $0xb8;
	[tilespmem:$0x11000] =	vst v63  }
0x3e: {  	s1 =	simm.s32 @!p0 $0x80;
	s8 =	simm.s32 @!p0 $0x6000;
	s0 =	simm.s32 @!p0 $0x180  }
0x3f: {  	[tilespmem:s8], [sflag:$0x2] =	stream.indirect.gather @!p0 [spmem:s3], $0x20, s0, s1, $0xb8;
	[tilespmem:$0x11000] =	vst v63  }
0x40: {  	s1 =	sadd.s32 $0xFFFFFFFF, s12  }
0x41: {  	s31 =	simm.s32 $0x200;
	_ =	swait.ge [sflag:s21], $0x1000;
	p0 =	sne.s32 s1, $0x0  }
.Ltmp0:
0x42: {  	s28 =	simm.s32 $0x6;
	[sflag:s21] =	ssyncset.done $0x0;
	(pc) =	sbr.rel @!p0 .LBB2_3-.Ltmp0, $4  }
0x43: {  	s30 =	simm.s32 $0x2A80;
	p1 =	sle.u32 s5, $0x4;
	[sflag:s21] =	ssyncadd.s32 $0xFFFFF000  }
0x44: {  	s29 =	simm.s32 $0x300;
	s9 =	simm.s32 @!p1 $0x5000;
	_ =	swait.ge [sflag:s22], $0x1000  }
0x45: {  	s23 =	simm.s32 $0x2980;
	s24 =	simm.s32 $0x2980;
	[sflag:s22] =	ssyncset.done $0x0  }
0x46: {  	s8 =	simm.s32 @!p1 $0x80;
	s0 =	simm.s32 $0x200;
	[sflag:s22] =	ssyncadd.s32 $0xFFFFF000  }
.LBB2_2:
0x47: {  	s0 =	smov.u32 s29;
	s24 =	smov.u32 s30  }
0x48: {  	[spmem:s2] =	stream.indirect.scatter.add.bf16 [tilespmem:s20], [sflag:$0x4], $0x20, s23, s17, $0xb8;
	[tilespmem:$0x11000] =	vst v63  }
0x49: {  	s1 =	sadd.s32 $0xFFFFFFFF, s1;
	s10 =	smov.u32 s28;
	s23 =	smov.u32 s30  }
0x4a: {  	[tilespmem:s9], [sflag:$0x1] =	stream.indirect.gather @!p1 [spmem:s3], $0x20, s31, s8, $0xb8;
	[tilespmem:$0x11000] =	vst v63  }
0x4b: {  	p0 =	sne.s32 s1, $0x0;
	s31 =	smov.u32 s29;
	_ =	swait.ge [sflag:s19], $0x1000  }
0x4c: {  	[sflag:s19] =	ssyncset.done $0x0  }
0x4d: {  	[sflag:s19] =	ssyncadd.s32 $0xFFFFF000  }
0x4e: {  	s8 =	sadd.s32 $0xFFFFFF80, s30;
	s9 =	sadd.s32 $0xFFFFFFFF, s28;
	_ =	swait.ge [sflag:s25], $0x1000  }
0x4f: {  	p1 =	sge.u32 s9, s5;
	[sflag:s25] =	ssyncset.done $0x0  }
0x50: {  	[sflag:s25] =	ssyncadd.s32 $0xFFFFF000  }
0x51: {  	[spmem:s2] =	stream.indirect.scatter.add.bf16 [tilespmem:s18], [sflag:$0x3], $0x20, s8, s17, $0xb8;
	[tilespmem:$0x11000] =	vst v63  }
0x52: {  	s9 =	simm.s32 @!p1 $0x80;
	s11 =	simm.s32 @!p1 $0x6000;
	s8 =	sadd.s32 @!p1 $0xFFFFFF80, s29  }
0x53: {  	[tilespmem:s11], [sflag:$0x2] =	stream.indirect.gather @!p1 [spmem:s3], $0x20, s8, s9, $0xb8;
	[tilespmem:$0x11000] =	vst v63  }
0x54: {  	_ =	swait.ge [sflag:s21], $0x1000  }
.Ltmp1:
0x55: {  	[sflag:s21] =	ssyncset.done $0x0;
	(pc) =	sbr.rel @p0 .LBB2_2-.Ltmp1, $4  }
0x56: {  	[sflag:s21] =	ssyncadd.s32 $0xFFFFF000  }
0x57: {  	s28 =	sadd.s32 $0x2, s28;
	s30 =	sadd.s32 $0x100, s30;
	_ =	swait.ge [sflag:s22], $0x1000  }
0x58: {  	s29 =	sadd.s32 $0x100, s29;
	p1 =	sge.u32 s10, s5;
	[sflag:s22] =	ssyncset.done $0x0  }
0x59: {  	s8 =	simm.s32 @!p1 $0x80;
	s9 =	simm.s32 @!p1 $0x5000;
	[sflag:s22] =	ssyncadd.s32 $0xFFFFF000  }
.LBB2_3:
0x5a: {  	[spmem:s2] =	stream.indirect.scatter.add.bf16 [tilespmem:s20], [sflag:$0x4], $0x20, s23, s17, $0xb8;
	[tilespmem:$0x11000] =	vst v63  }
0x5b: {  	_ = 	snop  }
0x5c: {  	[tilespmem:s9], [sflag:$0x1] =	stream.indirect.gather @!p1 [spmem:s3], $0x20, s31, s8, $0xb8;
	[tilespmem:$0x11000] =	vst v63  }
0x5d: {  	_ =	swait.ge [sflag:s19], $0x1000  }
0x5e: {  	[sflag:s19] =	ssyncset.done $0x0  }
0x5f: {  	[sflag:s19] =	ssyncadd.s32 $0xFFFFF000  }
0x60: {  	_ =	swait.ge [sflag:s25], $0x1000  }
0x61: {  	s1 =	sadd.s32 $0x80, s24;
	s24 =	sadd.s32 $0xFFFFFFFF, s28;
	[sflag:s25] =	ssyncset.done $0x0  }
0x62: {  	p0 =	sge.u32 s24, s5;
	[sflag:s25] =	ssyncadd.s32 $0xFFFFF000  }
0x63: {  	[spmem:s2] =	stream.indirect.scatter.add.bf16 [tilespmem:s18], [sflag:$0x3], $0x20, s1, s17, $0xb8;
	[tilespmem:$0x11000] =	vst v63  }
0x64: {  	s0 =	sadd.s32 @!p0 $0x80, s0;
	s8 =	simm.s32 @!p0 $0x6000;
	s1 =	simm.s32 @!p0 $0x80  }
0x65: {  	[tilespmem:s8], [sflag:$0x2] =	stream.indirect.gather @!p0 [spmem:s3], $0x20, s0, s1, $0xb8;
	[tilespmem:$0x11000] =	vst v63  }
0x66: {  	_ =	swait.ge [sflag:s21], $0x1000  }
0x67: {  	[sflag:s21] =	ssyncset.done $0x0  }
0x68: {  	[sflag:s21] =	ssyncadd.s32 $0xFFFFF000  }
0x69: {  	_ =	swait.ge [sflag:s22], $0x1000  }
0x6a: {  	[sflag:s22] =	ssyncset.done $0x0  }
0x6b: {  	p0 =	sge.u32 s28, s5;
	[sflag:s22] =	ssyncadd.s32 $0xFFFFF000  }
0x6c: {  	[spmem:s2] =	stream.indirect.scatter.add.bf16 [tilespmem:s20], [sflag:$0x4], $0x20, s30, s17, $0xb8;
	[tilespmem:$0x11000] =	vst v63  }
0x6d: {  	s0 =	simm.s32 @!p0 $0x80;
	s1 =	simm.s32 @!p0 $0x5000  }
0x6e: {  	[tilespmem:s1], [sflag:$0x1] =	stream.indirect.gather @!p0 [spmem:s3], $0x20, s29, s0, $0xb8;
	[tilespmem:$0x11000] =	vst v63  }
0x6f: {  	_ =	swait.ge [sflag:s25], $0x1000  }
0x70: {  	[sflag:s25] =	ssyncset.done $0x0  }
0x71: {  	[sflag:s25] =	ssyncadd.s32 $0xFFFFF000  }
0x72: {  	[bflag:$0x0] =	sbarrier.arrive $0xFFFF  }
0x73: {  	s30 =	rddreg [dreg:$0x7]  }
0x74: {  	[hbm:s30], [sflag:s7] =	dma.local [spmem:s13], $0xA00  }
0x75: {  	_ =	swait.ge [sflag:s14], $0xA00  }
0x76: {  	s26 =	sadd.s32 $0x1, s26;
	s31 =	rddreg [dreg:$0x8]  }
0x77: {  	p0 =	sne.s32 s26, s31  }
.Ltmp2:
0x78: {  	_ = 	snop;
	(pc) =	sbr.rel @p0 .LBB2_1-.Ltmp2, $3  }
0x79: {  	_ =	sdelay $0x1  }
0x7a: {  	[sflag:s14] =	ssyncset.done $0x0  }
0x7b: {  	[sflag:s14] =	ssyncadd.s32 $0xFFFFF600  }
0x7c: {  	_ =	sfence.sel $0x180000  }
0x7d: {  	[bflag:$0x0] =	sbarrier.arrive $0xFFFF  }
0x7e: {  	_ =	strace $0x9000004A  }
0x7f: {  	s0 =	stileid.u32;
	[bflag:$0x2] =	sbarrier.arrive $0xFFFF  }
0x80: {  	p0 =	sne.s32 s0, $0x0;
	s0 =	rddreg [dreg:$0x4]  }
0x81: {  	s0 =	sadd.s32 @!p0 $0x100000, s0  }
0x82: {  	[sflag:s0] =	ssyncadd.tile.s32 @!p0 $0x1;
	_ =	shalt  }
.Lfunc_end2:
_tile_overlayer_lowered:
.L_overlay_start_2:
0x83: {  	(tag) =	ssettag $0x2  }
0x84: {  	s0 =	rddreg [dreg:$0x0];
	s2 =	stileid.u32  }
0x85: {  	s1 =	rddreg [dreg:$0x1];
	p0 =	sne.s32 s2, $0x0  }
0x86: {  	s3 =	rddreg [dreg:$0x2];
	[bflag:$0x3] =	sbarrier.arrive $0xFFFF;
	s2 =	simm.s32 @!p0 $0x1C05  }
0x87: {  	[timem:s3], [sflag:s2] =	dma.local @!p0 [hbm:s0], s1  }
0x88: {  	s0 =	simm.s32 @!p0 $0x5  }
0x89: {  	_ =	swait.ge @!p0 [sflag:s0], s1  }
0x8a: {  	s1 =	ssub.s32 @!p0 $0x0, s1;
	[sflag:s0] =	ssyncset.done @!p0 $0x0  }
0x8b: {  	[sflag:s0] =	ssyncadd.s32 @!p0 s1  }
0x8c: {  	[bflag:$0x3] =	sbarrier.arrive $0xFFFF  }
0x8d: {  	_ =	shalt  }

// kernel: kernel.14.cloned.1.call-start
scs
__scs_entry_jumppad:
0x0: {  	(pc) =	sbr.rel $0x88, $3  }
0x1: {  	(tag) =	ssettag $0x0;
	lr =	simm.s32 $0x1  }
0x2: {  	[smem:$0x3F9D] =	sst lr;
	_ =	strace $0xD0000000  }
0x3: {  	_ = 	snop  }
0x4: {  	_ = 	snop  }
0x5: {  	_ = 	snop  }
0x6: {  	_ = 	snop  }
0x7: {  	_ = 	snop  }
__scs_overlays_trampoline_lowered:
0x8: {  	[smem:$0x3FAC] =	sst s0  }
0x9: {  	[smem:$0x3FAD] =	sst s1  }
0xa: {  	[smem:$0x3FAE] =	sst s2  }
0xb: {  	[smem:$0x3FAF] =	sst s3  }
0xc: {  	[smem:$0x3FB0] =	sst s4  }
0xd: {  	[smem:$0x3FB1] =	sst s5  }
0xe: {  	[smem:$0x3FB2] =	sst s6  }
0xf: {  	[smem:$0x3FB3] =	sst s7  }
0x10: {  	[smem:$0x3FB4] =	sst s8  }
0x11: {  	[smem:$0x3FB5] =	sst s9;
	s0 =	simm.s32 @!p0 $0x0  }
0x12: {  	s1 =	sld [smem:$0x3F9B];
	s0 =	simm.s32 @p0 $0x1  }
0x13: {  	[smem:$0x3FB6] =	sst s0;
	s0 =	simm.s32 @!p1 $0x0  }
0x14: {  	s2 =	sld [smem:$0x3F9A];
	s0 =	simm.s32 @p1 $0x1  }
0x15: {  	[smem:$0x3FB7] =	sst s0;
	s0 =	simm.s32 @!p2 $0x0  }
0x16: {  	s3 =	sld [smem:$0x3FDB];
	s0 =	simm.s32 @p2 $0x1  }
0x17: {  	s4 =	simm.s32 $0x1BF5;
	[smem:$0x3FB9] =	sst s0  }
0x18: {  	s0 =	sld [smem:$0x3F9C];
	_ =	swait.ge [sflag:s4], $0x0  }
0x19: {  	s7 =	sld [smem:$0x3F9D]  }
0x1a: {  	s8 =	sadd.s32 $0xFFFFE003, lr  }
0x1b: {  	s9 =	sadd.s32 $0xFFFFFEF7, lr;
	s5 =	simm.s32 $0xFFFFFFFF;
	p2 =	slt.u32 s8, $0xFFFFF086  }
0x1c: {  	p1 =	slt.u32 s9, $0xF7A;
	s5 =	simm.s32 @!p2 $0x0  }
0x1d: {  	s5 =	simm.s32 @p1 $0x1;
	p0 =	seq.s32 s7, s2  }
0x1e: {  	s7 =	smul.u32 @!p0 $0xF7A, s2;
	p2 =	seq.s32 @!p0 s5, $0x0  }
0x1f: {  	s9 =	smul.u32 $0xF7A, s1;
	s8 =	simm.s32 @!p0 $0x1BF5;
	p2 =	por !p2, p0  }
0x20: {  	[sflag:s8] =	ssyncset.s32 @!p0 $0xFFFFF086;
	s6 =	sadd.s32 @!p0 s3, s7;
	s7 =	simm.s32 @!p0 $0x108  }
0x21: {  	s3 =	sadd.s32 s3, s9;
	s6 =	sadd.s32 @!p0 $0x88, s6;
	s7 =	simm.s32 @p2 $0x1082  }
0x22: {  	[simem:s7], [sflag:s8] =	dma.local @!p0 [hbm:s6], $0xF7A  }
0x23: {  	s9 =	sor.u32 $0xD0000000, s2;
	s6 =	simm.s32 $0x108;
	_ =	swait.ge @!p0 [sflag:s8], $0x0  }
0x24: {  	s3 =	sadd.s32 $0x88, s3;
	s6 =	simm.s32 @!p1 $0x1082;
	[sflag:s4] =	ssyncset.s32 $0xFFFFF086  }
0x25: {  	[simem:s6], [sflag:s4] =	dma.local [hbm:s3], $0xF7A  }
0x26: {  	[smem:$0x3F9D] =	sst s1;
	(tag) =	ssettag s2;
	_ =	strace s9  }
0x27: {  	s1 =	sld [smem:$0x3FAD]  }
0x28: {  	s2 =	sld [smem:$0x3FAE]  }
0x29: {  	s4 =	sld [smem:$0x3FB0]  }
0x2a: {  	p0 =	seq.s32 s5, $0x0;
	s5 =	sld [smem:$0x3FB1]  }
0x2b: {  	s6 =	sld [smem:$0x3FB2]  }
0x2c: {  	s7 =	sld [smem:$0x3FB3]  }
0x2d: {  	s3 =	simm.s32 $0x108;
	s8 =	sld [smem:$0x3FB4]  }
0x2e: {  	s3 =	simm.s32 @!p0 $0x1082;
	s9 =	sld [smem:$0x3FB5]  }
0x2f: {  	lr =	sadd.s32 s0, s3;
	s0 =	sld [smem:$0x3FAC]  }
0x30: {  	s3 =	sld [smem:$0x3FAF]  }
0x31: {  	[smem:$0x3FB8] =	sst s10  }
0x32: {  	s10 =	sld [smem:$0x3FB6];
	_ =	sdelay $0x3  }
0x33: {  	p0 =	seq.s32 s10, $0x1;
	s10 =	sld [smem:$0x3FB8];
	_ =	sdelay $0x3  }
0x34: {  	[smem:$0x3FB8] =	sst s10  }
0x35: {  	s10 =	sld [smem:$0x3FB7];
	_ =	sdelay $0x3  }
0x36: {  	p1 =	seq.s32 s10, $0x1;
	s10 =	sld [smem:$0x3FB8];
	_ =	sdelay $0x3  }
0x37: {  	[smem:$0x3FB8] =	sst s10  }
0x38: {  	s10 =	sld [smem:$0x3FB9]  }
0x39: {  	_ = 	snop;
	(pc) =	sbr.ind lr, $3  }
0x3a: {  	_ = 	snop  }
0x3b: {  	_ = 	snop  }
0x3c: {  	p2 =	seq.s32 s10, $0x1;
	s10 =	sld [smem:$0x3FB8]  }
0x3d: {  	_ =	shalt  }
0x3e: {  	_ =	shalt  }
0x3f: {  	_ =	shalt  }
0x40: {  	_ =	shalt  }
0x41: {  	_ =	shalt  }
0x42: {  	_ =	shalt  }
0x43: {  	_ =	shalt  }
0x44: {  	_ =	shalt  }
0x45: {  	_ =	shalt  }
0x46: {  	_ =	shalt  }
0x47: {  	_ =	shalt  }
0x48: {  	_ =	shalt  }
0x49: {  	_ =	shalt  }
0x4a: {  	_ =	shalt  }
0x4b: {  	_ =	shalt  }
0x4c: {  	_ =	shalt  }
0x4d: {  	_ =	shalt  }
0x4e: {  	_ =	shalt  }
0x4f: {  	_ =	shalt  }
0x50: {  	_ =	shalt  }
0x51: {  	_ =	shalt  }
0x52: {  	_ =	shalt  }
0x53: {  	_ =	shalt  }
0x54: {  	_ =	shalt  }
0x55: {  	_ =	shalt  }
0x56: {  	_ =	shalt  }
0x57: {  	_ =	shalt  }
0x58: {  	_ =	shalt  }
0x59: {  	_ =	shalt  }
0x5a: {  	_ =	shalt  }
0x5b: {  	_ =	shalt  }
0x5c: {  	_ =	shalt  }
0x5d: {  	_ =	shalt  }
0x5e: {  	_ =	shalt  }
0x5f: {  	_ =	shalt  }
0x60: {  	_ =	shalt  }
0x61: {  	_ =	shalt  }
0x62: {  	_ =	shalt  }
0x63: {  	_ =	shalt  }
0x64: {  	_ =	shalt  }
0x65: {  	_ =	shalt  }
0x66: {  	_ =	shalt  }
0x67: {  	_ =	shalt  }
0x68: {  	_ =	shalt  }
0x69: {  	_ =	shalt  }
0x6a: {  	_ =	shalt  }
0x6b: {  	_ =	shalt  }
0x6c: {  	_ =	shalt  }
0x6d: {  	_ =	shalt  }
0x6e: {  	_ =	shalt  }
0x6f: {  	_ =	shalt  }
0x70: {  	_ =	shalt  }
0x71: {  	_ =	shalt  }
0x72: {  	_ =	shalt  }
0x73: {  	_ =	shalt  }
0x74: {  	_ =	shalt  }
0x75: {  	_ =	shalt  }
0x76: {  	_ =	shalt  }
0x77: {  	_ =	shalt  }
0x78: {  	_ =	shalt  }
0x79: {  	_ =	shalt  }
0x7a: {  	_ =	shalt  }
0x7b: {  	_ =	shalt  }
0x7c: {  	_ =	shalt  }
0x7d: {  	_ =	shalt  }
0x7e: {  	_ =	shalt  }
0x7f: {  	_ =	shalt  }
0x80: {  	_ =	shalt  }
0x81: {  	_ =	shalt  }
0x82: {  	_ =	shalt  }
0x83: {  	_ =	shalt  }
0x84: {  	_ =	shalt  }
0x85: {  	_ =	shalt  }
0x86: {  	_ =	shalt  }
0x87: {  	_ =	shalt  }
.Lfunc_end0:
.L_simem_size_0:
called_computation.2_lowered:
.L_overlay_start_0:
0x88: {  	s2 =	sld [smem:$0x3FD9]  }
0x89: {  	s3 =	sld [smem:$0x3FFE];
	_ =	sdelay $0x1  }
0x8a: {  	s1 =	srdreg.scid  }
0x8b: {  	s0 =	sand.u32 $0x1, s1  }
0x8c: {  	s17 =	sshll.u32 s0, $0xA;
	s2 =	sadd.s32 s3, s2  }
0x8d: {  	s2 =	sadd.s32 s2, s17  }
0x8e: {  	[smem:$0x3FC4] =	sst s2  }
0x8f: {  	_ = 	snop  }
0x90: {  	s2 =	sld [smem:$0x3FD0];
	(tm) =	ssettm $0x1  }
0x91: {  	s18 =	sld [smem:$0x3FFB];
	_ =	sdelay $0x3  }
0x92: {  	_ =	strace s18  }
0x93: {  	s3 =	sld [smem:$0x3FFC];
	_ =	sdelay $0x3  }
0x94: {  	_ =	strace s3  }
0x95: {  	s3 =	sld [smem:$0x3FFD];
	_ =	sdelay $0x3  }
0x96: {  	_ =	strace s3  }
0x97: {  	_ =	strace $0x8FFFFFFF  }
0x98: {  	s19 =	sld [smem:$0x3FDB];
	_ =	sdelay $0x1  }
0x99: {  	s4 =	simm.s32 $_scs_section_size  }
0x9a: {  	s5 =	simm.s32 $_size__tile_overlayer_lowered;
	s6 =	simm.s32 $_tile_overlayer_lowered  }
0x9b: {  	s22 =	simm.s32 $0x1BFF;
	s21 =	sshll.u32 s6, $0x1;
	s3 =	sadd.s32 s4, s19  }
0x9c: {  	s7 =	simm.s32 $0x0;
	s20 =	sshll.u32 s5, $0x1;
	s5 =	sadd.s32 s21, s3  }
0x9d: {  	[timem:s7], [sflag:s22] =	dma.local [hbm:s5], s20  }
0x9e: {  	_ =	swait.ge [sflag:s22], s20  }
0x9f: {  	s4 =	ssub.s32 $0x0, s20;
	[sflag:s22] =	ssyncset.done $0x0  }
0xa0: {  	[sflag:s22] =	ssyncadd.s32 s4;
	_ =	sdelay $0x1  }
0xa1: {  	s23 =	simm.s32 $0x1B8B  }
0xa2: {  	_ =	swait.ge [sflag:s23], $0x1  }
0xa3: {  	[sflag:s23] =	ssyncset.done $0x0  }
0xa4: {  	s25 =	simm.s32 $0x1B8E;
	s24 =	sld [smem:$0x3FFE];
	[sflag:s23] =	ssyncadd.s32 $0xFFFFFFFF  }
0xa5: {  	s26 =	simm.s32 $execute0_lowered;
	[smem:$0x3FD2] =	sst s25  }
0xa6: {  	s5 =	sshll.u32 s26, $0x1;
	_ =	strace $0x8000004C;
	[dreg:$0x1] =	wrdreg $0xFFFFFFFF  }
0xa7: {  	s28 =	simm.s32 $_size_execute0_lowered;
	s3 =	sadd.s32 s3, s5;
	[dreg:$0x0] =	wrdreg $0x0  }
0xa8: {  	s5 =	sshll.u32 s28, $0x1;
	[dreg:$0x2] =	wrdreg s3  }
0xa9: {  	[dreg:$0x3] =	wrdreg s5  }
0xaa: {  	[dreg:$0x4] =	wrdreg $0xC0  }
0xab: {  	_ =	task [dreg:s7], $0x5FFFF  }
0xac: {  	[dreg:$0x1] =	wrdreg $0xFFFFFFFF  }
0xad: {  	[dreg:$0x0] =	wrdreg $0x60  }
0xae: {  	[dreg:$0x2] =	wrdreg s2  }
0xaf: {  	[dreg:$0x3] =	wrdreg s24  }
0xb0: {  	[dreg:$0x4] =	wrdreg $0x70000  }
0xb1: {  	[dreg:$0x5] =	wrdreg $0xC0000  }
0xb2: {  	[dreg:$0x6] =	wrdreg $0x9  }
0xb3: {  	_ =	task.clear_ibuf [dreg:s7], $0x7FFFF;
	_ =	strace $0x9000004C  }
0xb4: {  	s29 =	simm.s32 $0x9;
	_ =	strace $0x8000004E  }
0xb5: {  	_ =	swait.ge [sflag:s29], $0x1  }
0xb6: {  	[sflag:s29] =	ssyncadd.s32 $0xFFFFFFFF  }
0xb7: {  	_ =	strace $0x9000004E  }
0xb8: {  	_ =	sfence  }
0xb9: {  	s30 =	sld [smem:$0x0];
	_ =	sdelay $0x2  }
0xba: {  	s31 =	sshll.u32 s1, $0xD;
	s1 =	sshrl.u32 s1, $0x2  }
0xbb: {  	s3 =	sand.u32 $0x4000, s31;
	s1 =	sadd.s32 s1, s30  }
0xbc: {  	s0 =	sor.u32 s3, s0;
	s1 =	sshll.u32 s1, $0x11  }
0xbd: {  	s0 =	sor.u32 s1, s0  }
0xbe: {  	s0 =	sadd.s32 $0x8F2B, s0  }
0xbf: {  	[sflag:s0] =	ssyncadd.remote.s32 $0x1  }
0xc0: {  	_ =	sfence.sel $0xFFFF  }
0xc1: {  	[dreg:$0x0] =	wrdreg $0xFFFFFFFF;
	(pc) =	sbr.abs _section_cstart, $3  }
0xc2: {  	[dreg:$0x1] =	wrdreg $0xFFFFFFFF  }
0xc3: {  	_ =	task.clear_ibuf [dreg:s7], $0x2FFFF;
	_ =	strace $0x9FFFFFFF  }
0xc4: {  	(tm) =	ssettm $0x7FFFFFFF  }
0xc5: {  	_ =	shalt  }
tec
execute0_lowered:
.L_overlay_start_1:
0x0: {  	(tag) =	ssettag $0x1  }
0x1: {  	s1 =	rddreg [dreg:$0x0]  }
0x2: {  	s0 =	srdreg.scid;
	s6 =	rddreg [dreg:$0x1]  }
0x3: {  	s12 =	stileid.u32;
	s2 =	rddreg [dreg:$0x2]  }
0x4: {  	s14 =	simm.s32 $0x5;
	s16 =	simm.s32 $0x2800;
	s17 =	simm.s32 $0x80  }
0x5: {  	s18 =	simm.s32 $0x5000;
	s0 =	sand.u32 $0x1, s0;
	s9 =	smul.u32 $0xA000, s12  }
0x6: {  	s24 =	sshll.u32 s12, $0x6;
	s3 =	sshll.u32 s0, $0x4;
	s19 =	smul.u32 $0xA0000, s0  }
0x7: {  	s0 =	ssub.s32 $0x2, s0;
	s5 =	sor.u32 s12, s3;
	s3 =	rddreg [dreg:$0x3]  }
0x8: {  	s21 =	sshrl.u32 s0, $0x1;
	s22 =	sshrl.u32 s9, $0x1;
	s23 =	sshrl.u32 s9, $0x4  }
0x9: {  	s4 =	smax.u32 s5, $0x1E;
	s7 =	smul.u32 $0x2700, s5;
	p0 =	sgt.u32 s5, $0x1D  }
0xa: {  	s5 =	simm.s32 $0x50;
	s0 =	ssub.s32 s0, s21;
	s25 =	sadd.s32 s22, s2  }
0xb: {  	s26 =	sadd.s32 s22, s3;
	s21 =	simm.s32 $0x2;
	s22 =	simm.s32 $0x3  }
0xc: {  	s8 =	sshll.u32 s4, $0x8;
	s4 =	simm.s32 $0x0;
	s5 =	simm.s32 @!p0 $0x4E  }
0xd: {  	s0 =	smax.u32 s0, $0x1;
	s13 =	sshrl.u32 s25, $0x3;
	s15 =	sshrl.u32 s26, $0x3  }
0xe: {  	s25 =	simm.s32 $0x4;
	s26 =	simm.s32 $0x0;
	s7 =	sadd.s32 s8, s7  }
0xf: {  	[smem:$0x7FF] =	sst s4;
	s8 =	sadd.s32 s9, s19;
	s30 =	sshrl.u32 s5, $0x1  }
0x10: {  	s19 =	simm.s32 $0x1;
	s7 =	sadd.s32 $0xFFFFE200, s7;
	s20 =	sshrl.u32 s8, $0x4  }
0x11: {  	_ =	strace $0x8000004D;
	s7 =	sshrl.u32 s7, $0x3;
	s11 =	sadd.s32 s20, s6  }
0x12: {  	[dreg:$0x8] =	wrdreg s0;
	s10 =	sadd.s32 s7, s6;
	s31 =	sadd.s32 $0x64E00, s11  }
0x13: {  	s12 =	sadd.s32 $0xFFFFFFFE, s30;
	s28 =	sadd.s32 $0x1200, s10;
	[dreg:$0x7] =	wrdreg s31  }
0x14: {  	s20 =	simm.s32 $0x6000;
	s29 =	sadd.s32 $0xB000, s10;
	[dreg:$0x5] =	wrdreg s28  }
0x15: {  	s6 =	sadd.s32 s1, s23;
	s7 =	sor.u32 $0x1C05, s24;
	[dreg:$0x6] =	wrdreg s29  }
.LBB2_1:
0x16: {  	[spmem:s13], [sflag:s7] =	dma.local [hbm:s6], $0xA00  }
0x17: {  	_ =	swait.ge [sflag:s14], $0xA00  }
0x18: {  	[sflag:s14] =	ssyncset.done $0x0  }
0x19: {  	[sflag:s14] =	ssyncadd.s32 $0xFFFFF600  }
0x1a: {  	[spmem:s15], [sflag:s7] =	dma.local [hbm:s6], $0xA00  }
0x1b: {  	_ =	swait.ge [sflag:s14], $0xA00  }
0x1c: {  	[sflag:s14] =	ssyncset.done $0x0  }
0x1d: {  	s0 =	rddreg [dreg:$0x5];
	[sflag:s14] =	ssyncadd.s32 $0xFFFFF600  }
0x1e: {  	[tilespmem:s4], [sflag:$0x5] =	stream.linear.gather [hbm4b:s0+s4], $0x2800, $0x38;
	[tilespmem:$0x11000] =	vst v63  }
0x1f: {  	_ =	swait.ge [sflag:s14], $0x2800  }
0x20: {  	[sflag:s14] =	ssyncset.done $0x0  }
0x21: {  	s10 =	rddreg [dreg:$0x6];
	[sflag:s14] =	ssyncadd.s32 $0xFFFFD800  }
0x22: {  	[tilespmem:s16], [sflag:$0x5] =	stream.linear.gather [hbm4b:s10+s4], $0x2800, $0x38;
	[tilespmem:$0x11000] =	vst v63  }
0x23: {  	_ =	swait.ge [sflag:s14], $0x2800  }
0x24: {  	[sflag:s14] =	ssyncset.done $0x0  }
0x25: {  	[sflag:s14] =	ssyncadd.s32 $0xFFFFD800  }
0x26: {  	[bflag:$0x0] =	sbarrier.arrive $0xFFFF  }
0x27: {  	[tilespmem:s18], [sflag:$0x1] =	stream.indirect.gather [spmem:s3], $0x20, s4, s17, $0xb8;
	[tilespmem:$0x11000] =	vst v63  }
0x28: {  	_ =	swait.ge [sflag:s19], $0x1000  }
0x29: {  	[sflag:s19] =	ssyncset.done $0x0  }
0x2a: {  	[sflag:s19] =	ssyncadd.s32 $0xFFFFF000  }
0x2b: {  	[spmem:s2] =	stream.indirect.scatter.add.bf16 [tilespmem:s18], [sflag:$0x3], $0x20, s16, s17, $0xb8;
	[tilespmem:$0x11000] =	vst v63  }
0x2c: {  	_ = 	snop  }
0x2d: {  	[tilespmem:s20], [sflag:$0x2] =	stream.indirect.gather [spmem:s3], $0x20, s17, s17, $0xb8;
	[tilespmem:$0x11000] =	vst v63  }
0x2e: {  	_ =	swait.ge [sflag:s21], $0x1000  }
0x2f: {  	[sflag:s21] =	ssyncset.done $0x0  }
0x30: {  	[sflag:s21] =	ssyncadd.s32 $0xFFFFF000  }
0x31: {  	_ =	swait.ge [sflag:s22], $0x1000  }
0x32: {  	[sflag:s22] =	ssyncset.done $0x0  }
0x33: {  	s11 =	simm.s32 $0x2880;
	[sflag:s22] =	ssyncadd.s32 $0xFFFFF000  }
0x34: {  	[spmem:s2] =	stream.indirect.scatter.add.bf16 [tilespmem:s20], [sflag:$0x4], $0x20, s11, s17, $0xb8;
	[tilespmem:$0x11000] =	vst v63  }
0x35: {  	s23 =	simm.s32 $0x100  }
0x36: {  	[tilespmem:s18], [sflag:$0x1] =	stream.indirect.gather [spmem:s3], $0x20, s23, s17, $0xb8;
	[tilespmem:$0x11000] =	vst v63  }
0x37: {  	_ =	swait.ge [sflag:s19], $0x1000  }
0x38: {  	[sflag:s19] =	ssyncset.done $0x0  }
0x39: {  	[sflag:s19] =	ssyncadd.s32 $0xFFFFF000  }
0x3a: {  	_ =	swait.ge [sflag:s25], $0x1000  }
0x3b: {  	[sflag:s25] =	ssyncset.done $0x0  }
0x3c: {  	s24 =	simm.s32 $0x2900;
	p0 =	sle.u32 s5, $0x3;
	[sflag:s25] =	ssyncadd.s32 $0xFFFFF000  }
0x3d: {  	[spmem:s2] =	stream.indirect.scatter.add.bf16 [tilespmem:s18], [sflag:$0x3], $0x20, s24, s17, $0xb8;
	[tilespmem:$0x11000] =	vst v63  }
0x3e: {  	s1 =	simm.s32 @!p0 $0x80;
	s8 =	simm.s32 @!p0 $0x6000;
	s0 =	simm.s32 @!p0 $0x180  }
0x3f: {  	[tilespmem:s8], [sflag:$0x2] =	stream.indirect.gather @!p0 [spmem:s3], $0x20, s0, s1, $0xb8;
	[tilespmem:$0x11000] =	vst v63  }
0x40: {  	s1 =	sadd.s32 $0xFFFFFFFF, s12  }
0x41: {  	s31 =	simm.s32 $0x200;
	_ =	swait.ge [sflag:s21], $0x1000;
	p0 =	sne.s32 s1, $0x0  }
.Ltmp0:
0x42: {  	s28 =	simm.s32 $0x6;
	[sflag:s21] =	ssyncset.done $0x0;
	(pc) =	sbr.rel @!p0 .LBB2_3-.Ltmp0, $4  }
0x43: {  	s30 =	simm.s32 $0x2A80;
	p1 =	sle.u32 s5, $0x4;
	[sflag:s21] =	ssyncadd.s32 $0xFFFFF000  }
0x44: {  	s29 =	simm.s32 $0x300;
	s9 =	simm.s32 @!p1 $0x5000;
	_ =	swait.ge [sflag:s22], $0x1000  }
0x45: {  	s23 =	simm.s32 $0x2980;
	s24 =	simm.s32 $0x2980;
	[sflag:s22] =	ssyncset.done $0x0  }
0x46: {  	s8 =	simm.s32 @!p1 $0x80;
	s0 =	simm.s32 $0x200;
	[sflag:s22] =	ssyncadd.s32 $0xFFFFF000  }
.LBB2_2:
0x47: {  	s0 =	smov.u32 s29;
	s24 =	smov.u32 s30  }
0x48: {  	[spmem:s2] =	stream.indirect.scatter.add.bf16 [tilespmem:s20], [sflag:$0x4], $0x20, s23, s17, $0xb8;
	[tilespmem:$0x11000] =	vst v63  }
0x49: {  	s1 =	sadd.s32 $0xFFFFFFFF, s1;
	s10 =	smov.u32 s28;
	s23 =	smov.u32 s30  }
0x4a: {  	[tilespmem:s9], [sflag:$0x1] =	stream.indirect.gather @!p1 [spmem:s3], $0x20, s31, s8, $0xb8;
	[tilespmem:$0x11000] =	vst v63  }
0x4b: {  	p0 =	sne.s32 s1, $0x0;
	s31 =	smov.u32 s29;
	_ =	swait.ge [sflag:s19], $0x1000  }
0x4c: {  	[sflag:s19] =	ssyncset.done $0x0  }
0x4d: {  	[sflag:s19] =	ssyncadd.s32 $0xFFFFF000  }
0x4e: {  	s8 =	sadd.s32 $0xFFFFFF80, s30;
	s9 =	sadd.s32 $0xFFFFFFFF, s28;
	_ =	swait.ge [sflag:s25], $0x1000  }
0x4f: {  	p1 =	sge.u32 s9, s5;
	[sflag:s25] =	ssyncset.done $0x0  }
0x50: {  	[sflag:s25] =	ssyncadd.s32 $0xFFFFF000  }
0x51: {  	[spmem:s2] =	stream.indirect.scatter.add.bf16 [tilespmem:s18], [sflag:$0x3], $0x20, s8, s17, $0xb8;
	[tilespmem:$0x11000] =	vst v63  }
0x52: {  	s9 =	simm.s32 @!p1 $0x80;
	s11 =	simm.s32 @!p1 $0x6000;
	s8 =	sadd.s32 @!p1 $0xFFFFFF80, s29  }
0x53: {  	[tilespmem:s11], [sflag:$0x2] =	stream.indirect.gather @!p1 [spmem:s3], $0x20, s8, s9, $0xb8;
	[tilespmem:$0x11000] =	vst v63  }
0x54: {  	_ =	swait.ge [sflag:s21], $0x1000  }
.Ltmp1:
0x55: {  	[sflag:s21] =	ssyncset.done $0x0;
	(pc) =	sbr.rel @p0 .LBB2_2-.Ltmp1, $4  }
0x56: {  	[sflag:s21] =	ssyncadd.s32 $0xFFFFF000  }
0x57: {  	s28 =	sadd.s32 $0x2, s28;
	s30 =	sadd.s32 $0x100, s30;
	_ =	swait.ge [sflag:s22], $0x1000  }
0x58: {  	s29 =	sadd.s32 $0x100, s29;
	p1 =	sge.u32 s10, s5;
	[sflag:s22] =	ssyncset.done $0x0  }
0x59: {  	s8 =	simm.s32 @!p1 $0x80;
	s9 =	simm.s32 @!p1 $0x5000;
	[sflag:s22] =	ssyncadd.s32 $0xFFFFF000  }
.LBB2_3:
0x5a: {  	[spmem:s2] =	stream.indirect.scatter.add.bf16 [tilespmem:s20], [sflag:$0x4], $0x20, s23, s17, $0xb8;
	[tilespmem:$0x11000] =	vst v63  }
0x5b: {  	_ = 	snop  }
0x5c: {  	[tilespmem:s9], [sflag:$0x1] =	stream.indirect.gather @!p1 [spmem:s3], $0x20, s31, s8, $0xb8;
	[tilespmem:$0x11000] =	vst v63  }
0x5d: {  	_ =	swait.ge [sflag:s19], $0x1000  }
0x5e: {  	[sflag:s19] =	ssyncset.done $0x0  }
0x5f: {  	[sflag:s19] =	ssyncadd.s32 $0xFFFFF000  }
0x60: {  	_ =	swait.ge [sflag:s25], $0x1000  }
0x61: {  	s1 =	sadd.s32 $0x80, s24;
	s24 =	sadd.s32 $0xFFFFFFFF, s28;
	[sflag:s25] =	ssyncset.done $0x0  }
0x62: {  	p0 =	sge.u32 s24, s5;
	[sflag:s25] =	ssyncadd.s32 $0xFFFFF000  }
0x63: {  	[spmem:s2] =	stream.indirect.scatter.add.bf16 [tilespmem:s18], [sflag:$0x3], $0x20, s1, s17, $0xb8;
	[tilespmem:$0x11000] =	vst v63  }
0x64: {  	s0 =	sadd.s32 @!p0 $0x80, s0;
	s8 =	simm.s32 @!p0 $0x6000;
	s1 =	simm.s32 @!p0 $0x80  }
0x65: {  	[tilespmem:s8], [sflag:$0x2] =	stream.indirect.gather @!p0 [spmem:s3], $0x20, s0, s1, $0xb8;
	[tilespmem:$0x11000] =	vst v63  }
0x66: {  	_ =	swait.ge [sflag:s21], $0x1000  }
0x67: {  	[sflag:s21] =	ssyncset.done $0x0  }
0x68: {  	[sflag:s21] =	ssyncadd.s32 $0xFFFFF000  }
0x69: {  	_ =	swait.ge [sflag:s22], $0x1000  }
0x6a: {  	[sflag:s22] =	ssyncset.done $0x0  }
0x6b: {  	p0 =	sge.u32 s28, s5;
	[sflag:s22] =	ssyncadd.s32 $0xFFFFF000  }
0x6c: {  	[spmem:s2] =	stream.indirect.scatter.add.bf16 [tilespmem:s20], [sflag:$0x4], $0x20, s30, s17, $0xb8;
	[tilespmem:$0x11000] =	vst v63  }
0x6d: {  	s0 =	simm.s32 @!p0 $0x80;
	s1 =	simm.s32 @!p0 $0x5000  }
0x6e: {  	[tilespmem:s1], [sflag:$0x1] =	stream.indirect.gather @!p0 [spmem:s3], $0x20, s29, s0, $0xb8;
	[tilespmem:$0x11000] =	vst v63  }
0x6f: {  	_ =	swait.ge [sflag:s25], $0x1000  }
0x70: {  	[sflag:s25] =	ssyncset.done $0x0  }
0x71: {  	[sflag:s25] =	ssyncadd.s32 $0xFFFFF000  }
0x72: {  	[bflag:$0x0] =	sbarrier.arrive $0xFFFF  }
0x73: {  	s30 =	rddreg [dreg:$0x7]  }
0x74: {  	[hbm:s30], [sflag:s7] =	dma.local [spmem:s13], $0xA00  }
0x75: {  	_ =	swait.ge [sflag:s14], $0xA00  }
0x76: {  	s26 =	sadd.s32 $0x1, s26;
	s31 =	rddreg [dreg:$0x8]  }
0x77: {  	p0 =	sne.s32 s26, s31  }
.Ltmp2:
0x78: {  	_ = 	snop;
	(pc) =	sbr.rel @p0 .LBB2_1-.Ltmp2, $3  }
0x79: {  	_ =	sdelay $0x1  }
0x7a: {  	[sflag:s14] =	ssyncset.done $0x0  }
0x7b: {  	[sflag:s14] =	ssyncadd.s32 $0xFFFFF600  }
0x7c: {  	_ =	sfence.sel $0x180000  }
0x7d: {  	[bflag:$0x0] =	sbarrier.arrive $0xFFFF  }
0x7e: {  	_ =	strace $0x9000004D  }
0x7f: {  	s0 =	stileid.u32;
	[bflag:$0x2] =	sbarrier.arrive $0xFFFF  }
0x80: {  	p0 =	sne.s32 s0, $0x0;
	s0 =	rddreg [dreg:$0x4]  }
0x81: {  	s0 =	sadd.s32 @!p0 $0x100000, s0  }
0x82: {  	[sflag:s0] =	ssyncadd.tile.s32 @!p0 $0x1;
	_ =	shalt  }
.Lfunc_end2:
_tile_overlayer_lowered:
.L_overlay_start_2:
0x83: {  	(tag) =	ssettag $0x2  }
0x84: {  	s0 =	rddreg [dreg:$0x0];
	s2 =	stileid.u32  }
0x85: {  	s1 =	rddreg [dreg:$0x1];
	p0 =	sne.s32 s2, $0x0  }
0x86: {  	s3 =	rddreg [dreg:$0x2];
	[bflag:$0x3] =	sbarrier.arrive $0xFFFF;
	s2 =	simm.s32 @!p0 $0x1C05  }
0x87: {  	[timem:s3], [sflag:s2] =	dma.local @!p0 [hbm:s0], s1  }
0x88: {  	s0 =	simm.s32 @!p0 $0x5  }
0x89: {  	_ =	swait.ge @!p0 [sflag:s0], s1  }
0x8a: {  	s1 =	ssub.s32 @!p0 $0x0, s1;
	[sflag:s0] =	ssyncset.done @!p0 $0x0  }
0x8b: {  	[sflag:s0] =	ssyncadd.s32 @!p0 s1  }
0x8c: {  	[bflag:$0x3] =	sbarrier.arrive $0xFFFF  }
0x8d: {  	_ =	shalt  }

// kernel: kernel.8.cloned.1.call-start
scs
__scs_entry_jumppad:
0x0: {  	(pc) =	sbr.rel $0x88, $3  }
0x1: {  	(tag) =	ssettag $0x0;
	lr =	simm.s32 $0x1  }
0x2: {  	[smem:$0x3F9D] =	sst lr;
	_ =	strace $0xD0000000  }
0x3: {  	_ = 	snop  }
0x4: {  	_ = 	snop  }
0x5: {  	_ = 	snop  }
0x6: {  	_ = 	snop  }
0x7: {  	_ = 	snop  }
__scs_overlays_trampoline_lowered:
0x8: {  	[smem:$0x3FAC] =	sst s0  }
0x9: {  	[smem:$0x3FAD] =	sst s1  }
0xa: {  	[smem:$0x3FAE] =	sst s2  }
0xb: {  	[smem:$0x3FAF] =	sst s3  }
0xc: {  	[smem:$0x3FB0] =	sst s4  }
0xd: {  	[smem:$0x3FB1] =	sst s5  }
0xe: {  	[smem:$0x3FB2] =	sst s6  }
0xf: {  	[smem:$0x3FB3] =	sst s7  }
0x10: {  	[smem:$0x3FB4] =	sst s8  }
0x11: {  	[smem:$0x3FB5] =	sst s9;
	s0 =	simm.s32 @!p0 $0x0  }
0x12: {  	s1 =	sld [smem:$0x3F9B];
	s0 =	simm.s32 @p0 $0x1  }
0x13: {  	[smem:$0x3FB6] =	sst s0;
	s0 =	simm.s32 @!p1 $0x0  }
0x14: {  	s2 =	sld [smem:$0x3F9A];
	s0 =	simm.s32 @p1 $0x1  }
0x15: {  	[smem:$0x3FB7] =	sst s0;
	s0 =	simm.s32 @!p2 $0x0  }
0x16: {  	s3 =	sld [smem:$0x3FDB];
	s0 =	simm.s32 @p2 $0x1  }
0x17: {  	s4 =	simm.s32 $0x1BF5;
	[smem:$0x3FB9] =	sst s0  }
0x18: {  	s0 =	sld [smem:$0x3F9C];
	_ =	swait.ge [sflag:s4], $0x0  }
0x19: {  	s7 =	sld [smem:$0x3F9D]  }
0x1a: {  	s8 =	sadd.s32 $0xFFFFE003, lr  }
0x1b: {  	s9 =	sadd.s32 $0xFFFFFEF7, lr;
	s5 =	simm.s32 $0xFFFFFFFF;
	p2 =	slt.u32 s8, $0xFFFFF086  }
0x1c: {  	p1 =	slt.u32 s9, $0xF7A;
	s5 =	simm.s32 @!p2 $0x0  }
0x1d: {  	s5 =	simm.s32 @p1 $0x1;
	p0 =	seq.s32 s7, s2  }
0x1e: {  	s7 =	smul.u32 @!p0 $0xF7A, s2;
	p2 =	seq.s32 @!p0 s5, $0x0  }
0x1f: {  	s9 =	smul.u32 $0xF7A, s1;
	s8 =	simm.s32 @!p0 $0x1BF5;
	p2 =	por !p2, p0  }
0x20: {  	[sflag:s8] =	ssyncset.s32 @!p0 $0xFFFFF086;
	s6 =	sadd.s32 @!p0 s3, s7;
	s7 =	simm.s32 @!p0 $0x108  }
0x21: {  	s3 =	sadd.s32 s3, s9;
	s6 =	sadd.s32 @!p0 $0x88, s6;
	s7 =	simm.s32 @p2 $0x1082  }
0x22: {  	[simem:s7], [sflag:s8] =	dma.local @!p0 [hbm:s6], $0xF7A  }
0x23: {  	s9 =	sor.u32 $0xD0000000, s2;
	s6 =	simm.s32 $0x108;
	_ =	swait.ge @!p0 [sflag:s8], $0x0  }
0x24: {  	s3 =	sadd.s32 $0x88, s3;
	s6 =	simm.s32 @!p1 $0x1082;
	[sflag:s4] =	ssyncset.s32 $0xFFFFF086  }
0x25: {  	[simem:s6], [sflag:s4] =	dma.local [hbm:s3], $0xF7A  }
0x26: {  	[smem:$0x3F9D] =	sst s1;
	(tag) =	ssettag s2;
	_ =	strace s9  }
0x27: {  	s1 =	sld [smem:$0x3FAD]  }
0x28: {  	s2 =	sld [smem:$0x3FAE]  }
0x29: {  	s4 =	sld [smem:$0x3FB0]  }
0x2a: {  	p0 =	seq.s32 s5, $0x0;
	s5 =	sld [smem:$0x3FB1]  }
0x2b: {  	s6 =	sld [smem:$0x3FB2]  }
0x2c: {  	s7 =	sld [smem:$0x3FB3]  }
0x2d: {  	s3 =	simm.s32 $0x108;
	s8 =	sld [smem:$0x3FB4]  }
0x2e: {  	s3 =	simm.s32 @!p0 $0x1082;
	s9 =	sld [smem:$0x3FB5]  }
0x2f: {  	lr =	sadd.s32 s0, s3;
	s0 =	sld [smem:$0x3FAC]  }
0x30: {  	s3 =	sld [smem:$0x3FAF]  }
0x31: {  	[smem:$0x3FB8] =	sst s10  }
0x32: {  	s10 =	sld [smem:$0x3FB6];
	_ =	sdelay $0x3  }
0x33: {  	p0 =	seq.s32 s10, $0x1;
	s10 =	sld [smem:$0x3FB8];
	_ =	sdelay $0x3  }
0x34: {  	[smem:$0x3FB8] =	sst s10  }
0x35: {  	s10 =	sld [smem:$0x3FB7];
	_ =	sdelay $0x3  }
0x36: {  	p1 =	seq.s32 s10, $0x1;
	s10 =	sld [smem:$0x3FB8];
	_ =	sdelay $0x3  }
0x37: {  	[smem:$0x3FB8] =	sst s10  }
0x38: {  	s10 =	sld [smem:$0x3FB9]  }
0x39: {  	_ = 	snop;
	(pc) =	sbr.ind lr, $3  }
0x3a: {  	_ = 	snop  }
0x3b: {  	_ = 	snop  }
0x3c: {  	p2 =	seq.s32 s10, $0x1;
	s10 =	sld [smem:$0x3FB8]  }
0x3d: {  	_ =	shalt  }
0x3e: {  	_ =	shalt  }
0x3f: {  	_ =	shalt  }
0x40: {  	_ =	shalt  }
0x41: {  	_ =	shalt  }
0x42: {  	_ =	shalt  }
0x43: {  	_ =	shalt  }
0x44: {  	_ =	shalt  }
0x45: {  	_ =	shalt  }
0x46: {  	_ =	shalt  }
0x47: {  	_ =	shalt  }
0x48: {  	_ =	shalt  }
0x49: {  	_ =	shalt  }
0x4a: {  	_ =	shalt  }
0x4b: {  	_ =	shalt  }
0x4c: {  	_ =	shalt  }
0x4d: {  	_ =	shalt  }
0x4e: {  	_ =	shalt  }
0x4f: {  	_ =	shalt  }
0x50: {  	_ =	shalt  }
0x51: {  	_ =	shalt  }
0x52: {  	_ =	shalt  }
0x53: {  	_ =	shalt  }
0x54: {  	_ =	shalt  }
0x55: {  	_ =	shalt  }
0x56: {  	_ =	shalt  }
0x57: {  	_ =	shalt  }
0x58: {  	_ =	shalt  }
0x59: {  	_ =	shalt  }
0x5a: {  	_ =	shalt  }
0x5b: {  	_ =	shalt  }
0x5c: {  	_ =	shalt  }
0x5d: {  	_ =	shalt  }
0x5e: {  	_ =	shalt  }
0x5f: {  	_ =	shalt  }
0x60: {  	_ =	shalt  }
0x61: {  	_ =	shalt  }
0x62: {  	_ =	shalt  }
0x63: {  	_ =	shalt  }
0x64: {  	_ =	shalt  }
0x65: {  	_ =	shalt  }
0x66: {  	_ =	shalt  }
0x67: {  	_ =	shalt  }
0x68: {  	_ =	shalt  }
0x69: {  	_ =	shalt  }
0x6a: {  	_ =	shalt  }
0x6b: {  	_ =	shalt  }
0x6c: {  	_ =	shalt  }
0x6d: {  	_ =	shalt  }
0x6e: {  	_ =	shalt  }
0x6f: {  	_ =	shalt  }
0x70: {  	_ =	shalt  }
0x71: {  	_ =	shalt  }
0x72: {  	_ =	shalt  }
0x73: {  	_ =	shalt  }
0x74: {  	_ =	shalt  }
0x75: {  	_ =	shalt  }
0x76: {  	_ =	shalt  }
0x77: {  	_ =	shalt  }
0x78: {  	_ =	shalt  }
0x79: {  	_ =	shalt  }
0x7a: {  	_ =	shalt  }
0x7b: {  	_ =	shalt  }
0x7c: {  	_ =	shalt  }
0x7d: {  	_ =	shalt  }
0x7e: {  	_ =	shalt  }
0x7f: {  	_ =	shalt  }
0x80: {  	_ =	shalt  }
0x81: {  	_ =	shalt  }
0x82: {  	_ =	shalt  }
0x83: {  	_ =	shalt  }
0x84: {  	_ =	shalt  }
0x85: {  	_ =	shalt  }
0x86: {  	_ =	shalt  }
0x87: {  	_ =	shalt  }
.Lfunc_end0:
.L_simem_size_0:
called_computation_lowered:
.L_overlay_start_0:
0x88: {  	s2 =	sld [smem:$0x3FD9]  }
0x89: {  	s3 =	sld [smem:$0x3FFE];
	_ =	sdelay $0x1  }
0x8a: {  	s1 =	srdreg.scid  }
0x8b: {  	s0 =	sand.u32 $0x1, s1  }
0x8c: {  	s17 =	sshll.u32 s0, $0xA;
	s2 =	sadd.s32 s3, s2  }
0x8d: {  	s2 =	sadd.s32 s2, s17  }
0x8e: {  	[smem:$0x3FC4] =	sst s2  }
0x8f: {  	_ = 	snop  }
0x90: {  	s2 =	sld [smem:$0x3FD0];
	(tm) =	ssettm $0x1  }
0x91: {  	s18 =	sld [smem:$0x3FFB];
	_ =	sdelay $0x3  }
0x92: {  	_ =	strace s18  }
0x93: {  	s3 =	sld [smem:$0x3FFC];
	_ =	sdelay $0x3  }
0x94: {  	_ =	strace s3  }
0x95: {  	s3 =	sld [smem:$0x3FFD];
	_ =	sdelay $0x3  }
0x96: {  	_ =	strace s3  }
0x97: {  	_ =	strace $0x8FFFFFFF  }
0x98: {  	s19 =	sld [smem:$0x3FDB];
	_ =	sdelay $0x1  }
0x99: {  	s4 =	simm.s32 $_scs_section_size  }
0x9a: {  	s5 =	simm.s32 $_size__tile_overlayer_lowered;
	s6 =	simm.s32 $_tile_overlayer_lowered  }
0x9b: {  	s22 =	simm.s32 $0x1BFF;
	s21 =	sshll.u32 s6, $0x1;
	s3 =	sadd.s32 s4, s19  }
0x9c: {  	s7 =	simm.s32 $0x0;
	s20 =	sshll.u32 s5, $0x1;
	s5 =	sadd.s32 s21, s3  }
0x9d: {  	[timem:s7], [sflag:s22] =	dma.local [hbm:s5], s20  }
0x9e: {  	_ =	swait.ge [sflag:s22], s20  }
0x9f: {  	s4 =	ssub.s32 $0x0, s20;
	[sflag:s22] =	ssyncset.done $0x0  }
0xa0: {  	[sflag:s22] =	ssyncadd.s32 s4;
	_ =	sdelay $0x1  }
0xa1: {  	s23 =	simm.s32 $0x1B8B  }
0xa2: {  	_ =	swait.ge [sflag:s23], $0x1  }
0xa3: {  	[sflag:s23] =	ssyncset.done $0x0  }
0xa4: {  	s25 =	simm.s32 $0x1B8E;
	s24 =	sld [smem:$0x3FFE];
	[sflag:s23] =	ssyncadd.s32 $0xFFFFFFFF  }
0xa5: {  	s26 =	simm.s32 $execute0_lowered;
	[smem:$0x3FD2] =	sst s25  }
0xa6: {  	s5 =	sshll.u32 s26, $0x1;
	_ =	strace $0x80000046;
	[dreg:$0x1] =	wrdreg $0xFFFFFFFF  }
0xa7: {  	s28 =	simm.s32 $_size_execute0_lowered;
	s3 =	sadd.s32 s3, s5;
	[dreg:$0x0] =	wrdreg $0x0  }
0xa8: {  	s5 =	sshll.u32 s28, $0x1;
	[dreg:$0x2] =	wrdreg s3  }
0xa9: {  	[dreg:$0x3] =	wrdreg s5  }
0xaa: {  	[dreg:$0x4] =	wrdreg $0xC0  }
0xab: {  	_ =	task [dreg:s7], $0x5FFFF  }
0xac: {  	[dreg:$0x1] =	wrdreg $0xFFFFFFFF  }
0xad: {  	[dreg:$0x0] =	wrdreg $0x60  }
0xae: {  	[dreg:$0x2] =	wrdreg s24  }
0xaf: {  	[dreg:$0x3] =	wrdreg s2  }
0xb0: {  	[dreg:$0x4] =	wrdreg $0x30000  }
0xb1: {  	[dreg:$0x5] =	wrdreg $0x9  }
0xb2: {  	_ =	task.clear_ibuf [dreg:s7], $0x6FFFF;
	_ =	strace $0x90000046  }
0xb3: {  	s29 =	simm.s32 $0x9;
	_ =	strace $0x80000048  }
0xb4: {  	_ =	swait.ge [sflag:s29], $0x1  }
0xb5: {  	[sflag:s29] =	ssyncadd.s32 $0xFFFFFFFF  }
0xb6: {  	_ =	strace $0x90000048  }
0xb7: {  	_ =	sfence  }
0xb8: {  	s30 =	sld [smem:$0x0];
	_ =	sdelay $0x2  }
0xb9: {  	s31 =	sshll.u32 s1, $0xD;
	s1 =	sshrl.u32 s1, $0x2  }
0xba: {  	s3 =	sand.u32 $0x4000, s31;
	s1 =	sadd.s32 s1, s30  }
0xbb: {  	s0 =	sor.u32 s3, s0;
	s1 =	sshll.u32 s1, $0x11  }
0xbc: {  	s0 =	sor.u32 s1, s0  }
0xbd: {  	s0 =	sadd.s32 $0x8F2B, s0  }
0xbe: {  	[sflag:s0] =	ssyncadd.remote.s32 $0x1  }
0xbf: {  	_ =	sfence.sel $0xFFFF  }
0xc0: {  	[dreg:$0x0] =	wrdreg $0xFFFFFFFF;
	(pc) =	sbr.abs _section_cstart, $3  }
0xc1: {  	[dreg:$0x1] =	wrdreg $0xFFFFFFFF  }
0xc2: {  	_ =	task.clear_ibuf [dreg:s7], $0x2FFFF;
	_ =	strace $0x9FFFFFFF  }
0xc3: {  	(tm) =	ssettm $0x7FFFFFFF  }
tec
execute0_lowered:
.L_overlay_start_1:
0x0: {  	(tag) =	ssettag $0x1  }
0x1: {  	s4 =	rddreg [dreg:$0x0]  }
0x2: {  	s9 =	rddreg [dreg:$0x1]  }
0x3: {  	s0 =	srdreg.scid;
	s2 =	rddreg [dreg:$0x2];
	s14 =	simm.s32 $0x80  }
0x4: {  	s15 =	simm.s32 $0x0;
	s5 =	sand.u32 $0x1, s0;
	s0 =	stileid.u32  }
0x5: {  	s1 =	sshll.u32 s5, $0x4;
	s26 =	smul.u32 $0x2800, s0;
	s29 =	ssub.s32 $0x2, s5  }
0x6: {  	s13 =	smul.u32 $0x28000, s5;
	s5 =	simm.s32 $0x50;
	s31 =	sshll.u32 s0, $0x6  }
0x7: {  	s6 =	sor.u32 s0, s1;
	s1 =	rddreg [dreg:$0x3];
	s12 =	sshrl.u32 s29, $0x1  }
0x8: {  	s3 =	smax.u32 s6, $0x1E;
	s7 =	smul.u32 $0x2700, s6;
	s10 =	sshrl.u32 s26, $0x3  }
0x9: {  	p0 =	sgt.u32 s6, $0x1D;
	s30 =	sadd.s32 s26, s2;
	s8 =	sshll.u32 s3, $0x8  }
0xa: {  	s3 =	simm.s32 $0x0;
	s28 =	sadd.s32 s10, s4;
	s10 =	ssub.s32 s29, s12  }
0xb: {  	s5 =	simm.s32 @!p0 $0x4E;
	s12 =	simm.s32 $0x1;
	s7 =	sadd.s32 s8, s7  }
0xc: {  	[smem:$0x7FF] =	sst s3;
	s8 =	sadd.s32 s26, s13;
	s6 =	sadd.s32 $0x14E00, s28  }
0xd: {  	s10 =	smax.u32 s10, $0x1;
	s7 =	sadd.s32 $0xFFFFE200, s7;
	s13 =	sshrl.u32 s8, $0x3  }
0xe: {  	_ =	strace $0x80000047;
	s7 =	sshrl.u32 s7, $0x3;
	s9 =	sadd.s32 s9, s13  }
0xf: {  	s13 =	simm.s32 $0x2800;
	s11 =	sadd.s32 s7, s4;
	s4 =	sadd.s32 $0x19E00, s4  }
0x10: {  	s7 =	sor.u32 $0x1C01, s31;
	s8 =	sadd.s32 $0xB000, s11;
	s11 =	sshrl.u32 s30, $0x3  }
.LBB2_1:
0x11: {  	[spmem:s11], [sflag:s7] =	dma.local [hbm:s6], $0x500  }
0x12: {  	_ =	swait.ge [sflag:s12], $0x500  }
0x13: {  	[sflag:s12] =	ssyncset.done $0x0  }
0x14: {  	[sflag:s12] =	ssyncadd.s32 $0xFFFFFB00  }
0x15: {  	[tilespmem:s13], [sflag:$0x1] =	stream.linear.gather [hbm4b:s4+s3], $0x800, $0x38;
	[tilespmem:$0x5800] =	vst v63  }
0x16: {  	_ =	swait.ge [sflag:s12], $0x800  }
0x17: {  	[sflag:s12] =	ssyncset.done $0x0  }
0x18: {  	[sflag:s12] =	ssyncadd.s32 $0xFFFFF800  }
0x19: {  	[tilespmem:s3], [sflag:$0x1] =	stream.linear.gather [hbm4b:s8+s3], $0x2800, $0x38;
	[tilespmem:$0x5800] =	vst v63  }
0x1a: {  	_ =	swait.ge [sflag:s12], $0x2800  }
0x1b: {  	p0 =	sne.s32 s5, $0x1;
	[sflag:s12] =	ssyncset.done $0x0  }
.Ltmp0:
0x1c: {  	[sflag:s12] =	ssyncadd.s32 $0xFFFFD800;
	(pc) =	sbr.rel @!p0 .LBB2_3-.Ltmp0, $4  }
0x1d: {  	[bflag:$0x0] =	sbarrier.arrive $0xFFFF  }
0x1e: {  	[spmem:s2] =	stream.indirect.scatter.add.f32 [tilespmem:s13], [sflag:$0x1], $0x10, s3, s14, $0xb8;
	[tilespmem:$0x5800] =	vst v63  }
0x1f: {  	_ =	swait.ge [sflag:s12], $0x800  }
0x20: {  	s16 =	sadd.s32 $0xFFFFFFFF, s5;
	s17 =	simm.s32 $0x0;
	[sflag:s12] =	ssyncset.done $0x0  }
.LBB2_2:
0x21: {  	p0 =	sne.s32 s16, $0x1;
	[sflag:s12] =	ssyncadd.s32 $0xFFFFF800;
	s17 =	sadd.s32 $0x80, s17  }
.Ltmp1:
0x22: {  	s16 =	sadd.s32 $0xFFFFFFFF, s16;
	(pc) =	sbr.rel @p0 .LBB2_2-.Ltmp1, $4  }
0x23: {  	_ = 	snop  }
0x24: {  	[spmem:s2] =	stream.indirect.scatter.add.f32 [tilespmem:s13], [sflag:$0x1], $0x10, s17, s14, $0xb8;
	[tilespmem:$0x5800] =	vst v63  }
0x25: {  	_ =	swait.ge [sflag:s12], $0x800  }
0x26: {  	[sflag:s12] =	ssyncset.done $0x0  }
.LBB2_3:
0x27: {  	s15 =	sadd.s32 $0x1, s15  }
0x28: {  	[sflag:s12] =	ssyncadd.s32 $0xFFFFF800;
	p0 =	sne.s32 s15, s10  }
.Ltmp2:
0x29: {  	[bflag:$0x0] =	sbarrier.arrive $0xFFFF;
	(pc) =	sbr.rel @p0 .LBB2_1-.Ltmp2, $4  }
0x2a: {  	[hbm:s9], [sflag:s7] =	dma.local [spmem:s11], $0x500  }
0x2b: {  	_ =	swait.ge [sflag:s12], $0x500  }
0x2c: {  	[sflag:s12] =	ssyncset.done $0x0  }
0x2d: {  	[sflag:s12] =	ssyncadd.s32 $0xFFFFFB00  }
0x2e: {  	_ =	sfence.sel $0x180000  }
0x2f: {  	[bflag:$0x0] =	sbarrier.arrive $0xFFFF  }
0x30: {  	p0 =	sne.s32 s0, $0x0;
	_ =	strace $0x90000047  }
0x31: {  	s0 =	sadd.s32 @!p0 $0x100000, s1;
	[bflag:$0x2] =	sbarrier.arrive $0xFFFF  }
0x32: {  	[sflag:s0] =	ssyncadd.tile.s32 @!p0 $0x1;
	_ =	shalt  }
.Lfunc_end2:
_tile_overlayer_lowered:
.L_overlay_start_2:
0x33: {  	(tag) =	ssettag $0x2  }
0x34: {  	s0 =	rddreg [dreg:$0x0];
	s2 =	stileid.u32  }
0x35: {  	s1 =	rddreg [dreg:$0x1];
	p0 =	sne.s32 s2, $0x0  }
0x36: {  	s3 =	rddreg [dreg:$0x2];
	[bflag:$0x3] =	sbarrier.arrive $0xFFFF;
	s2 =	simm.s32 @!p0 $0x1C01  }
0x37: {  	[timem:s3], [sflag:s2] =	dma.local @!p0 [hbm:s0], s1  }
0x38: {  	s0 =	simm.s32 @!p0 $0x1  }
0x39: {  	_ =	swait.ge @!p0 [sflag:s0], s1  }
0x3a: {  	s1 =	ssub.s32 @!p0 $0x0, s1;
	[sflag:s0] =	ssyncset.done @!p0 $0x0  }
0x3b: {  	[sflag:s0] =	ssyncadd.s32 @!p0 s1  }
0x3c: {  	[bflag:$0x3] =	sbarrier.arrive $0xFFFF  }
0x3d: {  	_ =	shalt  }

</sc_bundles>
